<compile_context>
chip_gen: v7x
topology: tpu7x:2x2x1
jax: 0.10.2.dev20260603
libtpu: 0.0.44.dev20260713+nightly
codegen_flags: <defaults>
</compile_context>

<pallas_src>
import functools

import jax
import jax.numpy as jnp
from jax import lax
from jax.experimental import pallas as pl
from jax.experimental.pallas import tpu as pltpu
from jax.experimental.pallas import tpu_sc as plsc

N_NODE = 320000
N_BATCH = 10000
OUT_DIM = 128
N_ATOMREF = 100
HIST_W = 128

NS = 16
NW = 2 * NS
ATOMS_PER_TILE = N_NODE // NW
VECS = ATOMS_PER_TILE // 16
IDX_ROWS = (VECS + 7) // 8
HIST_WORDS = N_BATCH * HIST_W
WORDS_PER_TILE = HIST_WORDS // NS
ZCHUNK = 16000
QLAG = 24
TRASH = HIST_WORDS


def _hist_body(z_hbm, b_hbm, h0_hbm, h1_hbm, shared, zv, bv, fidx, vfull,
               zbuf, sem_in, sem_z, sem_s):
    c = lax.axis_index("c")
    s = lax.axis_index("s")
    wid = c * NS + s
    base = wid * ATOMS_PER_TILE

    pltpu.async_copy(z_hbm.at[pl.ds(base, ATOMS_PER_TILE)], zv, sem_in)
    pltpu.async_copy(b_hbm.at[pl.ds(base, ATOMS_PER_TILE)], bv, sem_in)

    zeros_f = jnp.zeros((16,), jnp.float32)
    ones_f = jnp.ones((16,), jnp.float32)
    trash_i = jnp.full((16,), TRASH, jnp.int32)

    def _zb(i, carry):
        for k in range(8):
            zbuf[pl.ds(i * 128 + k * 16, 16)] = zeros_f
        return carry
    lax.fori_loop(0, ZCHUNK // 128, _zb, 0)
    nz = WORDS_PER_TILE // ZCHUNK
    for k in range(nz):
        pltpu.async_copy(
            zbuf, shared.at[pl.ds(s * WORDS_PER_TILE + k * ZCHUNK, ZCHUNK)],
            sem_z)

    for k in range(8):
        vfull[pl.ds(k * 16, 16)] = ones_f

    pltpu.make_async_copy(z_hbm.at[pl.ds(base, ATOMS_PER_TILE)], zv,
                          sem_in).wait()
    pltpu.make_async_copy(b_hbm.at[pl.ds(base, ATOMS_PER_TILE)], bv,
                          sem_in).wait()

    full_rows = VECS // 8
    rem_vecs = VECS - full_rows * 8

    def _fb(r, carry):
        for k in range(8):
            off = r * 128 + k * 16
            zi = zv[pl.ds(off, 16)]
            bi = bv[pl.ds(off, 16)]
            fidx[r, pl.ds(k * 16, 16)] = bi * HIST_W + zi
        return carry
    lax.fori_loop(0, full_rows, _fb, 0)
    for k in range(8):
        if k < rem_vecs:
            off = full_rows * 128 + k * 16
            zi = zv[pl.ds(off, 16)]
            bi = bv[pl.ds(off, 16)]
            fidx[full_rows, pl.ds(k * 16, 16)] = bi * HIST_W + zi
        else:
            fidx[full_rows, pl.ds(k * 16, 16)] = trash_i

    for k in range(nz):
        pltpu.make_async_copy(
            zbuf, shared.at[pl.ds(s * WORDS_PER_TILE + k * ZCHUNK, ZCHUNK)],
            sem_z).wait()
    plsc.subcore_barrier()

    def _step(j, carry):
        @pl.when(j < IDX_ROWS)
        def _():
            pltpu.async_copy(vfull, shared.at[fidx.at[j]], sem_s, add=True)

        @pl.when(j >= QLAG)
        def _():
            pltpu.make_async_copy(vfull, shared.at[fidx.at[j - QLAG]],
                                  sem_s).wait()

        return carry
    lax.fori_loop(0, IDX_ROWS + QLAG, _step, 0)

    plsc.subcore_barrier()

    src = shared.at[pl.ds(s * WORDS_PER_TILE, WORDS_PER_TILE)]

    @pl.when(c == 0)
    def _():
        pltpu.sync_copy(src, h0_hbm.at[pl.ds(s * WORDS_PER_TILE,
                                             WORDS_PER_TILE)])

    @pl.when(c == 1)
    def _():
        pltpu.sync_copy(src, h1_hbm.at[pl.ds(s * WORDS_PER_TILE,
                                             WORDS_PER_TILE)])


_hist = functools.partial(
    pl.kernel,
    out_type=(jax.ShapeDtypeStruct((HIST_WORDS,), jnp.float32),
              jax.ShapeDtypeStruct((HIST_WORDS,), jnp.float32)),
    mesh=plsc.VectorSubcoreMesh(core_axis_name="c", subcore_axis_name="s"),
    scratch_types=[
        pltpu.VMEM_SHARED((HIST_WORDS + 128,), jnp.float32),
        pltpu.VMEM((ATOMS_PER_TILE,), jnp.int32),
        pltpu.VMEM((ATOMS_PER_TILE,), jnp.int32),
        pltpu.VMEM((IDX_ROWS, 128), jnp.int32),
        pltpu.VMEM((128,), jnp.float32),
        pltpu.VMEM((ZCHUNK,), jnp.float32),
        pltpu.SemaphoreType.DMA,
        pltpu.SemaphoreType.DMA,
        pltpu.SemaphoreType.DMA,
    ],
)(_hist_body)


ROWS_TC = 2000
GRID_TC = N_BATCH // ROWS_TC


def _combine_body(h0_ref, h1_ref, out_ref, table_ref, mean_ref, o_ref):
    h = h0_ref[...] + h1_ref[...]
    table = table_ref[...] + mean_ref[...]
    o_ref[...] = out_ref[...] + jnp.dot(
        h, table, preferred_element_type=jnp.float32)


def _combine(h0, h1, out, table, mean2d):
    hspec = pl.BlockSpec((ROWS_TC, HIST_W), lambda i: (i, 0))
    return pl.pallas_call(
        _combine_body,
        grid=(GRID_TC,),
        in_specs=[
            hspec,
            hspec,
            pl.BlockSpec((ROWS_TC, OUT_DIM), lambda i: (i, 0)),
            pl.BlockSpec((HIST_W, OUT_DIM), lambda i: (0, 0)),
            pl.BlockSpec((1, OUT_DIM), lambda i: (0, 0)),
        ],
        out_specs=pl.BlockSpec((ROWS_TC, OUT_DIM), lambda i: (i, 0)),
        out_shape=jax.ShapeDtypeStruct((N_BATCH, OUT_DIM), jnp.float32),
    )(h0, h1, out, table, mean2d)


def kernel(out, z, batch_idx, atomref, mean):
    h0, h1 = _hist(z, batch_idx)
    h0 = h0.reshape(N_BATCH, HIST_W)
    h1 = h1.reshape(N_BATCH, HIST_W)
    table = jnp.pad(atomref, ((0, HIST_W - N_ATOMREF), (0, 0)))
    return _combine(h0, h1, out, table, mean.reshape(1, OUT_DIM))

# --- scband reference (transcript-rebuilt; emitter-appended) ---
"""Pipeline reference for scband-post-process-67577015435810 (READ-ONLY COPY).

The authoritative reference and input builder live on the scoring server;
editing this copy changes nothing except your own understanding.
"""

import jax, jax.numpy as jnp
import numpy as np

N_NODE = 320000
N_BATCH = 10000
OUT_DIM = 128
N_ATOMREF = 100


def setup_inputs(seed: int = 0) -> dict:
    key = jax.random.key(seed)
    k1, k2, k3 = jax.random.split(key, 3)
    out = jax.random.normal(k1, (N_BATCH, OUT_DIM), dtype=jnp.float32)
    z = jax.random.randint(k2, (N_NODE,), 0, N_ATOMREF, dtype=jnp.int32)
    batch_idx = jnp.sort(jax.random.randint(k3, (N_NODE,), 0, N_BATCH, dtype=jnp.int32))
    # buffers per __init__: atomref defaults to zeros((100, out_dim)), mean defaults to zeros(out_dim)
    atomref = jnp.zeros((N_ATOMREF, OUT_DIM), dtype=jnp.float32)
    mean = jnp.zeros((OUT_DIM,), dtype=jnp.float32)
    return {"out": out, "z": z, "batch_idx": batch_idx, "atomref": atomref, "mean": mean}


def reference(out, z, batch_idx, atomref, mean):
    # PostProcess.forward with add_mean=True, is_extensive=True, batch_idx is not None
    n_batch = out.shape[0]
    # mean broadcast to (n_node, out_dim), then scatter-sum over segments
    mean_exp = jnp.broadcast_to(mean[None, :], (z.shape[0], mean.shape[0]))
    mean_seg = jax.ops.segment_sum(mean_exp, batch_idx, num_segments=n_batch)
    out = out + mean_seg
    # atom reference gather then scatter-sum per molecule (extensive)
    aref = jnp.take(atomref, z, axis=0)
    aref_seg = jax.ops.segment_sum(aref, batch_idx, num_segments=n_batch)
    return out + aref_seg

if __name__ == "__main__":
    import jax
    _d = setup_inputs()
    print(jax.jit(kernel)(*tuple(_d.values())))

</pallas_src>

<mosaic_0001>
#map = affine_map<(d0, d1) -> (0)>
module attributes {stable_mosaic.version = 14 : i64} {
  func.func @_hist_body(%arg0: i32, %arg1: i32, %arg2: memref<320000xi32, #tpu.memory_space<hbm>>, %arg3: memref<320000xi32, #tpu.memory_space<hbm>>, %arg4: memref<1280000xf32, #tpu.memory_space<hbm>>, %arg5: memref<1280000xf32, #tpu.memory_space<hbm>>, %arg6: memref<1280128xf32, #tpu.memory_space<vmem_shared>>, %arg7: memref<10000xi32, #tpu.memory_space<vmem>>, %arg8: memref<10000xi32, #tpu.memory_space<vmem>>, %arg9: memref<79x128xi32, #tpu.memory_space<vmem>>, %arg10: memref<128xf32, #tpu.memory_space<vmem>>, %arg11: memref<16000xf32, #tpu.memory_space<vmem>>, %arg12: memref<!tpu.dma_semaphore, #tpu.memory_space<semaphore_mem>>, %arg13: memref<!tpu.dma_semaphore, #tpu.memory_space<semaphore_mem>>, %arg14: memref<!tpu.dma_semaphore, #tpu.memory_space<semaphore_mem>>) attributes {dimension_semantics = [#tpu.dimension_semantics<core_parallel>, #tpu.dimension_semantics<subcore_parallel>], iteration_bounds = array<i64: 2, 16>, scalar_prefetch = 0 : i64, scratch_operands = 9 : i64, tpu.core_type = #tpu.core_type<sc_vector_subcore>, window_params = [{transform_indices = #map}, {transform_indices = #map}, {transform_indices = #map}, {transform_indices = #map}]} {
    %mul3A = arith.constant 16 : i32
    %mul3A_0 = arith.muli %arg0, %mul3A : i32
    %add3A = arith.addi %mul3A_0, %arg1 : i32
    %mul3A_1 = arith.constant 10000 : i32
    %mul3A_2 = arith.muli %add3A, %mul3A_1 : i32
    %dma_start3A = tpu.memref_slice %arg2[%mul3A_2] : memref<320000xi32, #tpu.memory_space<hbm>> -> memref<10000xi32, #tpu.memory_space<hbm>>
    %dma_start3A_3 = tpu.memref_slice %arg2[%mul3A_2] : memref<320000xi32, #tpu.memory_space<hbm>> -> memref<10000xi32, #tpu.memory_space<hbm>>
    tpu.enqueue_dma source(%dma_start3A_3 : memref<10000xi32, #tpu.memory_space<hbm>>) target(%arg7 : memref<10000xi32, #tpu.memory_space<vmem>>) target_semaphore(%arg12 : memref<!tpu.dma_semaphore, #tpu.memory_space<semaphore_mem>>)
    %dma_start3A_4 = tpu.memref_slice %arg3[%mul3A_2] : memref<320000xi32, #tpu.memory_space<hbm>> -> memref<10000xi32, #tpu.memory_space<hbm>>
    %dma_start3A_5 = tpu.memref_slice %arg3[%mul3A_2] : memref<320000xi32, #tpu.memory_space<hbm>> -> memref<10000xi32, #tpu.memory_space<hbm>>
    tpu.enqueue_dma source(%dma_start3A_5 : memref<10000xi32, #tpu.memory_space<hbm>>) target(%arg8 : memref<10000xi32, #tpu.memory_space<vmem>>) target_semaphore(%arg12 : memref<!tpu.dma_semaphore, #tpu.memory_space<semaphore_mem>>)
    %broadcast_in_dim3A = arith.constant 0.000000e+00 : f32
    %broadcast_in_dim3A_6 = vector.broadcast %broadcast_in_dim3A : f32 to vector<16xf32>
    %broadcast_in_dim3A_7 = arith.constant 1.000000e+00 : f32
    %broadcast_in_dim3A_8 = vector.broadcast %broadcast_in_dim3A_7 : f32 to vector<16xf32>
    %broadcast_in_dim3A_9 = arith.constant 1280000 : i32
    %broadcast_in_dim3A_10 = vector.broadcast %broadcast_in_dim3A_9 : i32 to vector<16xi32>
    %scan3A = arith.constant 0 : i32
    %scan3A_11 = arith.constant 0 : i32
    %scan3A_12 = arith.constant 125 : i32
    %scan3A_13 = arith.addi %scan3A_11, %scan3A_12 : i32
    %scan3A_14 = arith.constant 1 : i32
    scf.for %scan3A_189 = %scan3A_11 to %scan3A_13 step %scan3A_14  : i32 {
      %mul3A_190 = arith.constant 128 : i32
      %mul3A_191 = arith.muli %scan3A_189, %mul3A_190 : i32
      %add3A_192 = arith.constant 0 : i32
      %add3A_193 = arith.addi %mul3A_191, %add3A_192 : i32
      %swap3A_194 = arith.index_cast %add3A_193 : i32 to index
      %swap3A_195 = tpu.vector_load %arg11[%swap3A_194] {strides = array<i32>} : memref<16000xf32, #tpu.memory_space<vmem>>, vector<16xf32>,
      %swap3A_196 = vector.shape_cast %swap3A_195 : vector<16xf32> to vector<16xf32>
      %swap3A_197 = vector.shape_cast %broadcast_in_dim3A_6 : vector<16xf32> to vector<16xf32>
      tpu.vector_store %arg11[%swap3A_194], %swap3A_197 {strides = array<i32>} : memref<16000xf32, #tpu.memory_space<vmem>>, vector<16xf32>,
      %mul3A_198 = arith.constant 128 : i32
      %mul3A_199 = arith.muli %scan3A_189, %mul3A_198 : i32
      %add3A_200 = arith.constant 16 : i32
      %add3A_201 = arith.addi %mul3A_199, %add3A_200 : i32
      %swap3A_202 = arith.index_cast %add3A_201 : i32 to index
      %swap3A_203 = tpu.vector_load %arg11[%swap3A_202] {strides = array<i32>} : memref<16000xf32, #tpu.memory_space<vmem>>, vector<16xf32>,
      %swap3A_204 = vector.shape_cast %swap3A_203 : vector<16xf32> to vector<16xf32>
      %swap3A_205 = vector.shape_cast %broadcast_in_dim3A_6 : vector<16xf32> to vector<16xf32>
      tpu.vector_store %arg11[%swap3A_202], %swap3A_205 {strides = array<i32>} : memref<16000xf32, #tpu.memory_space<vmem>>, vector<16xf32>,
      %mul3A_206 = arith.constant 128 : i32
      %mul3A_207 = arith.muli %scan3A_189, %mul3A_206 : i32
      %add3A_208 = arith.constant 32 : i32
      %add3A_209 = arith.addi %mul3A_207, %add3A_208 : i32
      %swap3A_210 = arith.index_cast %add3A_209 : i32 to index
      %swap3A_211 = tpu.vector_load %arg11[%swap3A_210] {strides = array<i32>} : memref<16000xf32, #tpu.memory_space<vmem>>, vector<16xf32>,
      %swap3A_212 = vector.shape_cast %swap3A_211 : vector<16xf32> to vector<16xf32>
      %swap3A_213 = vector.shape_cast %broadcast_in_dim3A_6 : vector<16xf32> to vector<16xf32>
      tpu.vector_store %arg11[%swap3A_210], %swap3A_213 {strides = array<i32>} : memref<16000xf32, #tpu.memory_space<vmem>>, vector<16xf32>,
      %mul3A_214 = arith.constant 128 : i32
      %mul3A_215 = arith.muli %scan3A_189, %mul3A_214 : i32
      %add3A_216 = arith.constant 48 : i32
      %add3A_217 = arith.addi %mul3A_215, %add3A_216 : i32
      %swap3A_218 = arith.index_cast %add3A_217 : i32 to index
      %swap3A_219 = tpu.vector_load %arg11[%swap3A_218] {strides = array<i32>} : memref<16000xf32, #tpu.memory_space<vmem>>, vector<16xf32>,
      %swap3A_220 = vector.shape_cast %swap3A_219 : vector<16xf32> to vector<16xf32>
      %swap3A_221 = vector.shape_cast %broadcast_in_dim3A_6 : vector<16xf32> to vector<16xf32>
      tpu.vector_store %arg11[%swap3A_218], %swap3A_221 {strides = array<i32>} : memref<16000xf32, #tpu.memory_space<vmem>>, vector<16xf32>,
      %mul3A_222 = arith.constant 128 : i32
      %mul3A_223 = arith.muli %scan3A_189, %mul3A_222 : i32
      %add3A_224 = arith.constant 64 : i32
      %add3A_225 = arith.addi %mul3A_223, %add3A_224 : i32
      %swap3A_226 = arith.index_cast %add3A_225 : i32 to index
      %swap3A_227 = tpu.vector_load %arg11[%swap3A_226] {strides = array<i32>} : memref<16000xf32, #tpu.memory_space<vmem>>, vector<16xf32>,
      %swap3A_228 = vector.shape_cast %swap3A_227 : vector<16xf32> to vector<16xf32>
      %swap3A_229 = vector.shape_cast %broadcast_in_dim3A_6 : vector<16xf32> to vector<16xf32>
      tpu.vector_store %arg11[%swap3A_226], %swap3A_229 {strides = array<i32>} : memref<16000xf32, #tpu.memory_space<vmem>>, vector<16xf32>,
      %mul3A_230 = arith.constant 128 : i32
      %mul3A_231 = arith.muli %scan3A_189, %mul3A_230 : i32
      %add3A_232 = arith.constant 80 : i32
      %add3A_233 = arith.addi %mul3A_231, %add3A_232 : i32
      %swap3A_234 = arith.index_cast %add3A_233 : i32 to index
      %swap3A_235 = tpu.vector_load %arg11[%swap3A_234] {strides = array<i32>} : memref<16000xf32, #tpu.memory_space<vmem>>, vector<16xf32>,
      %swap3A_236 = vector.shape_cast %swap3A_235 : vector<16xf32> to vector<16xf32>
      %swap3A_237 = vector.shape_cast %broadcast_in_dim3A_6 : vector<16xf32> to vector<16xf32>
      tpu.vector_store %arg11[%swap3A_234], %swap3A_237 {strides = array<i32>} : memref<16000xf32, #tpu.memory_space<vmem>>, vector<16xf32>,
      %mul3A_238 = arith.constant 128 : i32
      %mul3A_239 = arith.muli %scan3A_189, %mul3A_238 : i32
      %add3A_240 = arith.constant 96 : i32
      %add3A_241 = arith.addi %mul3A_239, %add3A_240 : i32
      %swap3A_242 = arith.index_cast %add3A_241 : i32 to index
      %swap3A_243 = tpu.vector_load %arg11[%swap3A_242] {strides = array<i32>} : memref<16000xf32, #tpu.memory_space<vmem>>, vector<16xf32>,
      %swap3A_244 = vector.shape_cast %swap3A_243 : vector<16xf32> to vector<16xf32>
      %swap3A_245 = vector.shape_cast %broadcast_in_dim3A_6 : vector<16xf32> to vector<16xf32>
      tpu.vector_store %arg11[%swap3A_242], %swap3A_245 {strides = array<i32>} : memref<16000xf32, #tpu.memory_space<vmem>>, vector<16xf32>,
      %mul3A_246 = arith.constant 128 : i32
      %mul3A_247 = arith.muli %scan3A_189, %mul3A_246 : i32
      %add3A_248 = arith.constant 112 : i32
      %add3A_249 = arith.addi %mul3A_247, %add3A_248 : i32
      %swap3A_250 = arith.index_cast %add3A_249 : i32 to index
      %swap3A_251 = tpu.vector_load %arg11[%swap3A_250] {strides = array<i32>} : memref<16000xf32, #tpu.memory_space<vmem>>, vector<16xf32>,
      %swap3A_252 = vector.shape_cast %swap3A_251 : vector<16xf32> to vector<16xf32>
      %swap3A_253 = vector.shape_cast %broadcast_in_dim3A_6 : vector<16xf32> to vector<16xf32>
      tpu.vector_store %arg11[%swap3A_250], %swap3A_253 {strides = array<i32>} : memref<16000xf32, #tpu.memory_space<vmem>>, vector<16xf32>,
    }
    %scan3A_15 = arith.constant 125 : i32
    %mul3A_16 = arith.constant 80000 : i32
    %mul3A_17 = arith.muli %arg1, %mul3A_16 : i32
    %add3A_18 = arith.constant 0 : i32
    %add3A_19 = arith.addi %mul3A_17, %add3A_18 : i32
    %dma_start3A_20 = tpu.memref_slice %arg6[%add3A_19] : memref<1280128xf32, #tpu.memory_space<vmem_shared>> -> memref<16000xf32, #tpu.memory_space<vmem_shared>>
    %dma_start3A_21 = tpu.memref_slice %arg6[%add3A_19] : memref<1280128xf32, #tpu.memory_space<vmem_shared>> -> memref<16000xf32, #tpu.memory_space<vmem_shared>>
    tpu.enqueue_dma source(%arg11 : memref<16000xf32, #tpu.memory_space<vmem>>) target(%dma_start3A_21 : memref<16000xf32, #tpu.memory_space<vmem_shared>>) target_semaphore(%arg13 : memref<!tpu.dma_semaphore, #tpu.memory_space<semaphore_mem>>)
    %mul3A_22 = arith.constant 80000 : i32
    %mul3A_23 = arith.muli %arg1, %mul3A_22 : i32
    %add3A_24 = arith.constant 16000 : i32
    %add3A_25 = arith.addi %mul3A_23, %add3A_24 : i32
    %dma_start3A_26 = tpu.memref_slice %arg6[%add3A_25] : memref<1280128xf32, #tpu.memory_space<vmem_shared>> -> memref<16000xf32, #tpu.memory_space<vmem_shared>>
    %dma_start3A_27 = tpu.memref_slice %arg6[%add3A_25] : memref<1280128xf32, #tpu.memory_space<vmem_shared>> -> memref<16000xf32, #tpu.memory_space<vmem_shared>>
    tpu.enqueue_dma source(%arg11 : memref<16000xf32, #tpu.memory_space<vmem>>) target(%dma_start3A_27 : memref<16000xf32, #tpu.memory_space<vmem_shared>>) target_semaphore(%arg13 : memref<!tpu.dma_semaphore, #tpu.memory_space<semaphore_mem>>)
    %mul3A_28 = arith.constant 80000 : i32
    %mul3A_29 = arith.muli %arg1, %mul3A_28 : i32
    %add3A_30 = arith.constant 32000 : i32
    %add3A_31 = arith.addi %mul3A_29, %add3A_30 : i32
    %dma_start3A_32 = tpu.memref_slice %arg6[%add3A_31] : memref<1280128xf32, #tpu.memory_space<vmem_shared>> -> memref<16000xf32, #tpu.memory_space<vmem_shared>>
    %dma_start3A_33 = tpu.memref_slice %arg6[%add3A_31] : memref<1280128xf32, #tpu.memory_space<vmem_shared>> -> memref<16000xf32, #tpu.memory_space<vmem_shared>>
    tpu.enqueue_dma source(%arg11 : memref<16000xf32, #tpu.memory_space<vmem>>) target(%dma_start3A_33 : memref<16000xf32, #tpu.memory_space<vmem_shared>>) target_semaphore(%arg13 : memref<!tpu.dma_semaphore, #tpu.memory_space<semaphore_mem>>)
    %mul3A_34 = arith.constant 80000 : i32
    %mul3A_35 = arith.muli %arg1, %mul3A_34 : i32
    %add3A_36 = arith.constant 48000 : i32
    %add3A_37 = arith.addi %mul3A_35, %add3A_36 : i32
    %dma_start3A_38 = tpu.memref_slice %arg6[%add3A_37] : memref<1280128xf32, #tpu.memory_space<vmem_shared>> -> memref<16000xf32, #tpu.memory_space<vmem_shared>>
    %dma_start3A_39 = tpu.memref_slice %arg6[%add3A_37] : memref<1280128xf32, #tpu.memory_space<vmem_shared>> -> memref<16000xf32, #tpu.memory_space<vmem_shared>>
    tpu.enqueue_dma source(%arg11 : memref<16000xf32, #tpu.memory_space<vmem>>) target(%dma_start3A_39 : memref<16000xf32, #tpu.memory_space<vmem_shared>>) target_semaphore(%arg13 : memref<!tpu.dma_semaphore, #tpu.memory_space<semaphore_mem>>)
    %mul3A_40 = arith.constant 80000 : i32
    %mul3A_41 = arith.muli %arg1, %mul3A_40 : i32
    %add3A_42 = arith.constant 64000 : i32
    %add3A_43 = arith.addi %mul3A_41, %add3A_42 : i32
    %dma_start3A_44 = tpu.memref_slice %arg6[%add3A_43] : memref<1280128xf32, #tpu.memory_space<vmem_shared>> -> memref<16000xf32, #tpu.memory_space<vmem_shared>>
    %dma_start3A_45 = tpu.memref_slice %arg6[%add3A_43] : memref<1280128xf32, #tpu.memory_space<vmem_shared>> -> memref<16000xf32, #tpu.memory_space<vmem_shared>>
    tpu.enqueue_dma source(%arg11 : memref<16000xf32, #tpu.memory_space<vmem>>) target(%dma_start3A_45 : memref<16000xf32, #tpu.memory_space<vmem_shared>>) target_semaphore(%arg13 : memref<!tpu.dma_semaphore, #tpu.memory_space<semaphore_mem>>)
    %swap3A = arith.constant 0 : index
    %swap3A_46 = tpu.vector_load %arg10[%swap3A] {strides = array<i32>} : memref<128xf32, #tpu.memory_space<vmem>>, vector<16xf32>,
    %swap3A_47 = vector.shape_cast %swap3A_46 : vector<16xf32> to vector<16xf32>
    %swap3A_48 = vector.shape_cast %broadcast_in_dim3A_8 : vector<16xf32> to vector<16xf32>
    tpu.vector_store %arg10[%swap3A], %swap3A_48 {strides = array<i32>} : memref<128xf32, #tpu.memory_space<vmem>>, vector<16xf32>,
    %swap3A_49 = arith.constant 16 : index
    %swap3A_50 = tpu.vector_load %arg10[%swap3A_49] {strides = array<i32>} : memref<128xf32, #tpu.memory_space<vmem>>, vector<16xf32>,
    %swap3A_51 = vector.shape_cast %swap3A_50 : vector<16xf32> to vector<16xf32>
    %swap3A_52 = vector.shape_cast %broadcast_in_dim3A_8 : vector<16xf32> to vector<16xf32>
    tpu.vector_store %arg10[%swap3A_49], %swap3A_52 {strides = array<i32>} : memref<128xf32, #tpu.memory_space<vmem>>, vector<16xf32>,
    %swap3A_53 = arith.constant 32 : index
    %swap3A_54 = tpu.vector_load %arg10[%swap3A_53] {strides = array<i32>} : memref<128xf32, #tpu.memory_space<vmem>>, vector<16xf32>,
    %swap3A_55 = vector.shape_cast %swap3A_54 : vector<16xf32> to vector<16xf32>
    %swap3A_56 = vector.shape_cast %broadcast_in_dim3A_8 : vector<16xf32> to vector<16xf32>
    tpu.vector_store %arg10[%swap3A_53], %swap3A_56 {strides = array<i32>} : memref<128xf32, #tpu.memory_space<vmem>>, vector<16xf32>,
    %swap3A_57 = arith.constant 48 : index
    %swap3A_58 = tpu.vector_load %arg10[%swap3A_57] {strides = array<i32>} : memref<128xf32, #tpu.memory_space<vmem>>, vector<16xf32>,
    %swap3A_59 = vector.shape_cast %swap3A_58 : vector<16xf32> to vector<16xf32>
    %swap3A_60 = vector.shape_cast %broadcast_in_dim3A_8 : vector<16xf32> to vector<16xf32>
    tpu.vector_store %arg10[%swap3A_57], %swap3A_60 {strides = array<i32>} : memref<128xf32, #tpu.memory_space<vmem>>, vector<16xf32>,
    %swap3A_61 = arith.constant 64 : index
    %swap3A_62 = tpu.vector_load %arg10[%swap3A_61] {strides = array<i32>} : memref<128xf32, #tpu.memory_space<vmem>>, vector<16xf32>,
    %swap3A_63 = vector.shape_cast %swap3A_62 : vector<16xf32> to vector<16xf32>
    %swap3A_64 = vector.shape_cast %broadcast_in_dim3A_8 : vector<16xf32> to vector<16xf32>
    tpu.vector_store %arg10[%swap3A_61], %swap3A_64 {strides = array<i32>} : memref<128xf32, #tpu.memory_space<vmem>>, vector<16xf32>,
    %swap3A_65 = arith.constant 80 : index
    %swap3A_66 = tpu.vector_load %arg10[%swap3A_65] {strides = array<i32>} : memref<128xf32, #tpu.memory_space<vmem>>, vector<16xf32>,
    %swap3A_67 = vector.shape_cast %swap3A_66 : vector<16xf32> to vector<16xf32>
    %swap3A_68 = vector.shape_cast %broadcast_in_dim3A_8 : vector<16xf32> to vector<16xf32>
    tpu.vector_store %arg10[%swap3A_65], %swap3A_68 {strides = array<i32>} : memref<128xf32, #tpu.memory_space<vmem>>, vector<16xf32>,
    %swap3A_69 = arith.constant 96 : index
    %swap3A_70 = tpu.vector_load %arg10[%swap3A_69] {strides = array<i32>} : memref<128xf32, #tpu.memory_space<vmem>>, vector<16xf32>,
    %swap3A_71 = vector.shape_cast %swap3A_70 : vector<16xf32> to vector<16xf32>
    %swap3A_72 = vector.shape_cast %broadcast_in_dim3A_8 : vector<16xf32> to vector<16xf32>
    tpu.vector_store %arg10[%swap3A_69], %swap3A_72 {strides = array<i32>} : memref<128xf32, #tpu.memory_space<vmem>>, vector<16xf32>,
    %swap3A_73 = arith.constant 112 : index
    %swap3A_74 = tpu.vector_load %arg10[%swap3A_73] {strides = array<i32>} : memref<128xf32, #tpu.memory_space<vmem>>, vector<16xf32>,
    %swap3A_75 = vector.shape_cast %swap3A_74 : vector<16xf32> to vector<16xf32>
    %swap3A_76 = vector.shape_cast %broadcast_in_dim3A_8 : vector<16xf32> to vector<16xf32>
    tpu.vector_store %arg10[%swap3A_73], %swap3A_76 {strides = array<i32>} : memref<128xf32, #tpu.memory_space<vmem>>, vector<16xf32>,
    %dma_wait3A = tpu.memref_slice %arg2[%mul3A_2] : memref<320000xi32, #tpu.memory_space<hbm>> -> memref<10000xi32, #tpu.memory_space<hbm>>
    %dma_wait3A_77 = tpu.memref_slice %arg2[%mul3A_2] : memref<320000xi32, #tpu.memory_space<hbm>> -> memref<10000xi32, #tpu.memory_space<hbm>>
    tpu.wait_dma2 semaphore(%arg12 : memref<!tpu.dma_semaphore, #tpu.memory_space<semaphore_mem>>) src(%dma_wait3A_77 : memref<10000xi32, #tpu.memory_space<hbm>>) dst(%arg7 : memref<10000xi32, #tpu.memory_space<vmem>>)
    %dma_wait3A_78 = tpu.memref_slice %arg3[%mul3A_2] : memref<320000xi32, #tpu.memory_space<hbm>> -> memref<10000xi32, #tpu.memory_space<hbm>>
    %dma_wait3A_79 = tpu.memref_slice %arg3[%mul3A_2] : memref<320000xi32, #tpu.memory_space<hbm>> -> memref<10000xi32, #tpu.memory_space<hbm>>
    tpu.wait_dma2 semaphore(%arg12 : memref<!tpu.dma_semaphore, #tpu.memory_space<semaphore_mem>>) src(%dma_wait3A_79 : memref<10000xi32, #tpu.memory_space<hbm>>) dst(%arg8 : memref<10000xi32, #tpu.memory_space<vmem>>)
    %scan3A_80 = arith.constant 0 : i32
    %scan3A_81 = arith.constant 0 : i32
    %scan3A_82 = arith.constant 78 : i32
    %scan3A_83 = arith.addi %scan3A_81, %scan3A_82 : i32
    %scan3A_84 = arith.constant 1 : i32
    scf.for %scan3A_189 = %scan3A_81 to %scan3A_83 step %scan3A_84  : i32 {
      %mul3A_190 = arith.constant 128 : i32
      %mul3A_191 = arith.muli %scan3A_189, %mul3A_190 : i32
      %add3A_192 = arith.constant 0 : i32
      %add3A_193 = arith.addi %mul3A_191, %add3A_192 : i32
      %get3A_194 = arith.index_cast %add3A_193 : i32 to index
      %get3A_195 = tpu.vector_load %arg7[%get3A_194] {strides = array<i32>} : memref<10000xi32, #tpu.memory_space<vmem>>, vector<16xi32>,
      %get3A_196 = vector.shape_cast %get3A_195 : vector<16xi32> to vector<16xi32>
      %get3A_197 = arith.index_cast %add3A_193 : i32 to index
      %get3A_198 = tpu.vector_load %arg8[%get3A_197] {strides = array<i32>} : memref<10000xi32, #tpu.memory_space<vmem>>, vector<16xi32>,
      %get3A_199 = vector.shape_cast %get3A_198 : vector<16xi32> to vector<16xi32>
      %mul3A_200 = arith.constant 128 : i32
      %mul3A_201 = vector.broadcast %mul3A_200 : i32 to vector<16xi32>
      %mul3A_202 = arith.muli %get3A_199, %mul3A_201 : vector<16xi32>
      %add3A_203 = arith.addi %mul3A_202, %get3A_196 : vector<16xi32>
      %swap3A_204 = arith.index_cast %scan3A_189 : i32 to index
      %swap3A_205 = arith.constant 0 : index
      %swap3A_206 = tpu.vector_load %arg9[%swap3A_204, %swap3A_205] {strides = array<i32>} : memref<79x128xi32, #tpu.memory_space<vmem>>, vector<1x16xi32>,
      %swap3A_207 = vector.shape_cast %swap3A_206 : vector<1x16xi32> to vector<16xi32>
      %swap3A_208 = vector.shape_cast %add3A_203 : vector<16xi32> to vector<1x16xi32>
      tpu.vector_store %arg9[%swap3A_204, %swap3A_205], %swap3A_208 {strides = array<i32>} : memref<79x128xi32, #tpu.memory_space<vmem>>, vector<1x16xi32>,
      %mul3A_209 = arith.constant 128 : i32
      %mul3A_210 = arith.muli %scan3A_189, %mul3A_209 : i32
      %add3A_211 = arith.constant 16 : i32
      %add3A_212 = arith.addi %mul3A_210, %add3A_211 : i32
      %get3A_213 = arith.index_cast %add3A_212 : i32 to index
      %get3A_214 = tpu.vector_load %arg7[%get3A_213] {strides = array<i32>} : memref<10000xi32, #tpu.memory_space<vmem>>, vector<16xi32>,
      %get3A_215 = vector.shape_cast %get3A_214 : vector<16xi32> to vector<16xi32>
      %get3A_216 = arith.index_cast %add3A_212 : i32 to index
      %get3A_217 = tpu.vector_load %arg8[%get3A_216] {strides = array<i32>} : memref<10000xi32, #tpu.memory_space<vmem>>, vector<16xi32>,
      %get3A_218 = vector.shape_cast %get3A_217 : vector<16xi32> to vector<16xi32>
      %mul3A_219 = arith.constant 128 : i32
      %mul3A_220 = vector.broadcast %mul3A_219 : i32 to vector<16xi32>
      %mul3A_221 = arith.muli %get3A_218, %mul3A_220 : vector<16xi32>
      %add3A_222 = arith.addi %mul3A_221, %get3A_215 : vector<16xi32>
      %swap3A_223 = arith.index_cast %scan3A_189 : i32 to index
      %swap3A_224 = arith.constant 16 : index
      %swap3A_225 = tpu.vector_load %arg9[%swap3A_223, %swap3A_224] {strides = array<i32>} : memref<79x128xi32, #tpu.memory_space<vmem>>, vector<1x16xi32>,
      %swap3A_226 = vector.shape_cast %swap3A_225 : vector<1x16xi32> to vector<16xi32>
      %swap3A_227 = vector.shape_cast %add3A_222 : vector<16xi32> to vector<1x16xi32>
      tpu.vector_store %arg9[%swap3A_223, %swap3A_224], %swap3A_227 {strides = array<i32>} : memref<79x128xi32, #tpu.memory_space<vmem>>, vector<1x16xi32>,
      %mul3A_228 = arith.constant 128 : i32
      %mul3A_229 = arith.muli %scan3A_189, %mul3A_228 : i32
      %add3A_230 = arith.constant 32 : i32
      %add3A_231 = arith.addi %mul3A_229, %add3A_230 : i32
      %get3A_232 = arith.index_cast %add3A_231 : i32 to index
      %get3A_233 = tpu.vector_load %arg7[%get3A_232] {strides = array<i32>} : memref<10000xi32, #tpu.memory_space<vmem>>, vector<16xi32>,
      %get3A_234 = vector.shape_cast %get3A_233 : vector<16xi32> to vector<16xi32>
      %get3A_235 = arith.index_cast %add3A_231 : i32 to index
      %get3A_236 = tpu.vector_load %arg8[%get3A_235] {strides = array<i32>} : memref<10000xi32, #tpu.memory_space<vmem>>, vector<16xi32>,
      %get3A_237 = vector.shape_cast %get3A_236 : vector<16xi32> to vector<16xi32>
      %mul3A_238 = arith.constant 128 : i32
      %mul3A_239 = vector.broadcast %mul3A_238 : i32 to vector<16xi32>
      %mul3A_240 = arith.muli %get3A_237, %mul3A_239 : vector<16xi32>
      %add3A_241 = arith.addi %mul3A_240, %get3A_234 : vector<16xi32>
      %swap3A_242 = arith.index_cast %scan3A_189 : i32 to index
      %swap3A_243 = arith.constant 32 : index
      %swap3A_244 = tpu.vector_load %arg9[%swap3A_242, %swap3A_243] {strides = array<i32>} : memref<79x128xi32, #tpu.memory_space<vmem>>, vector<1x16xi32>,
      %swap3A_245 = vector.shape_cast %swap3A_244 : vector<1x16xi32> to vector<16xi32>
      %swap3A_246 = vector.shape_cast %add3A_241 : vector<16xi32> to vector<1x16xi32>
      tpu.vector_store %arg9[%swap3A_242, %swap3A_243], %swap3A_246 {strides = array<i32>} : memref<79x128xi32, #tpu.memory_space<vmem>>, vector<1x16xi32>,
      %mul3A_247 = arith.constant 128 : i32
      %mul3A_248 = arith.muli %scan3A_189, %mul3A_247 : i32
      %add3A_249 = arith.constant 48 : i32
      %add3A_250 = arith.addi %mul3A_248, %add3A_249 : i32
      %get3A_251 = arith.index_cast %add3A_250 : i32 to index
      %get3A_252 = tpu.vector_load %arg7[%get3A_251] {strides = array<i32>} : memref<10000xi32, #tpu.memory_space<vmem>>, vector<16xi32>,
      %get3A_253 = vector.shape_cast %get3A_252 : vector<16xi32> to vector<16xi32>
      %get3A_254 = arith.index_cast %add3A_250 : i32 to index
      %get3A_255 = tpu.vector_load %arg8[%get3A_254] {strides = array<i32>} : memref<10000xi32, #tpu.memory_space<vmem>>, vector<16xi32>,
      %get3A_256 = vector.shape_cast %get3A_255 : vector<16xi32> to vector<16xi32>
      %mul3A_257 = arith.constant 128 : i32
      %mul3A_258 = vector.broadcast %mul3A_257 : i32 to vector<16xi32>
      %mul3A_259 = arith.muli %get3A_256, %mul3A_258 : vector<16xi32>
      %add3A_260 = arith.addi %mul3A_259, %get3A_253 : vector<16xi32>
      %swap3A_261 = arith.index_cast %scan3A_189 : i32 to index
      %swap3A_262 = arith.constant 48 : index
      %swap3A_263 = tpu.vector_load %arg9[%swap3A_261, %swap3A_262] {strides = array<i32>} : memref<79x128xi32, #tpu.memory_space<vmem>>, vector<1x16xi32>,
      %swap3A_264 = vector.shape_cast %swap3A_263 : vector<1x16xi32> to vector<16xi32>
      %swap3A_265 = vector.shape_cast %add3A_260 : vector<16xi32> to vector<1x16xi32>
      tpu.vector_store %arg9[%swap3A_261, %swap3A_262], %swap3A_265 {strides = array<i32>} : memref<79x128xi32, #tpu.memory_space<vmem>>, vector<1x16xi32>,
      %mul3A_266 = arith.constant 128 : i32
      %mul3A_267 = arith.muli %scan3A_189, %mul3A_266 : i32
      %add3A_268 = arith.constant 64 : i32
      %add3A_269 = arith.addi %mul3A_267, %add3A_268 : i32
      %get3A_270 = arith.index_cast %add3A_269 : i32 to index
      %get3A_271 = tpu.vector_load %arg7[%get3A_270] {strides = array<i32>} : memref<10000xi32, #tpu.memory_space<vmem>>, vector<16xi32>,
      %get3A_272 = vector.shape_cast %get3A_271 : vector<16xi32> to vector<16xi32>
      %get3A_273 = arith.index_cast %add3A_269 : i32 to index
      %get3A_274 = tpu.vector_load %arg8[%get3A_273] {strides = array<i32>} : memref<10000xi32, #tpu.memory_space<vmem>>, vector<16xi32>,
      %get3A_275 = vector.shape_cast %get3A_274 : vector<16xi32> to vector<16xi32>
      %mul3A_276 = arith.constant 128 : i32
      %mul3A_277 = vector.broadcast %mul3A_276 : i32 to vector<16xi32>
      %mul3A_278 = arith.muli %get3A_275, %mul3A_277 : vector<16xi32>
      %add3A_279 = arith.addi %mul3A_278, %get3A_272 : vector<16xi32>
      %swap3A_280 = arith.index_cast %scan3A_189 : i32 to index
      %swap3A_281 = arith.constant 64 : index
      %swap3A_282 = tpu.vector_load %arg9[%swap3A_280, %swap3A_281] {strides = array<i32>} : memref<79x128xi32, #tpu.memory_space<vmem>>, vector<1x16xi32>,
      %swap3A_283 = vector.shape_cast %swap3A_282 : vector<1x16xi32> to vector<16xi32>
      %swap3A_284 = vector.shape_cast %add3A_279 : vector<16xi32> to vector<1x16xi32>
      tpu.vector_store %arg9[%swap3A_280, %swap3A_281], %swap3A_284 {strides = array<i32>} : memref<79x128xi32, #tpu.memory_space<vmem>>, vector<1x16xi32>,
      %mul3A_285 = arith.constant 128 : i32
      %mul3A_286 = arith.muli %scan3A_189, %mul3A_285 : i32
      %add3A_287 = arith.constant 80 : i32
      %add3A_288 = arith.addi %mul3A_286, %add3A_287 : i32
      %get3A_289 = arith.index_cast %add3A_288 : i32 to index
      %get3A_290 = tpu.vector_load %arg7[%get3A_289] {strides = array<i32>} : memref<10000xi32, #tpu.memory_space<vmem>>, vector<16xi32>,
      %get3A_291 = vector.shape_cast %get3A_290 : vector<16xi32> to vector<16xi32>
      %get3A_292 = arith.index_cast %add3A_288 : i32 to index
      %get3A_293 = tpu.vector_load %arg8[%get3A_292] {strides = array<i32>} : memref<10000xi32, #tpu.memory_space<vmem>>, vector<16xi32>,
      %get3A_294 = vector.shape_cast %get3A_293 : vector<16xi32> to vector<16xi32>
      %mul3A_295 = arith.constant 128 : i32
      %mul3A_296 = vector.broadcast %mul3A_295 : i32 to vector<16xi32>
      %mul3A_297 = arith.muli %get3A_294, %mul3A_296 : vector<16xi32>
      %add3A_298 = arith.addi %mul3A_297, %get3A_291 : vector<16xi32>
      %swap3A_299 = arith.index_cast %scan3A_189 : i32 to index
      %swap3A_300 = arith.constant 80 : index
      %swap3A_301 = tpu.vector_load %arg9[%swap3A_299, %swap3A_300] {strides = array<i32>} : memref<79x128xi32, #tpu.memory_space<vmem>>, vector<1x16xi32>,
      %swap3A_302 = vector.shape_cast %swap3A_301 : vector<1x16xi32> to vector<16xi32>
      %swap3A_303 = vector.shape_cast %add3A_298 : vector<16xi32> to vector<1x16xi32>
      tpu.vector_store %arg9[%swap3A_299, %swap3A_300], %swap3A_303 {strides = array<i32>} : memref<79x128xi32, #tpu.memory_space<vmem>>, vector<1x16xi32>,
      %mul3A_304 = arith.constant 128 : i32
      %mul3A_305 = arith.muli %scan3A_189, %mul3A_304 : i32
      %add3A_306 = arith.constant 96 : i32
      %add3A_307 = arith.addi %mul3A_305, %add3A_306 : i32
      %get3A_308 = arith.index_cast %add3A_307 : i32 to index
      %get3A_309 = tpu.vector_load %arg7[%get3A_308] {strides = array<i32>} : memref<10000xi32, #tpu.memory_space<vmem>>, vector<16xi32>,
      %get3A_310 = vector.shape_cast %get3A_309 : vector<16xi32> to vector<16xi32>
      %get3A_311 = arith.index_cast %add3A_307 : i32 to index
      %get3A_312 = tpu.vector_load %arg8[%get3A_311] {strides = array<i32>} : memref<10000xi32, #tpu.memory_space<vmem>>, vector<16xi32>,
      %get3A_313 = vector.shape_cast %get3A_312 : vector<16xi32> to vector<16xi32>
      %mul3A_314 = arith.constant 128 : i32
      %mul3A_315 = vector.broadcast %mul3A_314 : i32 to vector<16xi32>
      %mul3A_316 = arith.muli %get3A_313, %mul3A_315 : vector<16xi32>
      %add3A_317 = arith.addi %mul3A_316, %get3A_310 : vector<16xi32>
      %swap3A_318 = arith.index_cast %scan3A_189 : i32 to index
      %swap3A_319 = arith.constant 96 : index
      %swap3A_320 = tpu.vector_load %arg9[%swap3A_318, %swap3A_319] {strides = array<i32>} : memref<79x128xi32, #tpu.memory_space<vmem>>, vector<1x16xi32>,
      %swap3A_321 = vector.shape_cast %swap3A_320 : vector<1x16xi32> to vector<16xi32>
      %swap3A_322 = vector.shape_cast %add3A_317 : vector<16xi32> to vector<1x16xi32>
      tpu.vector_store %arg9[%swap3A_318, %swap3A_319], %swap3A_322 {strides = array<i32>} : memref<79x128xi32, #tpu.memory_space<vmem>>, vector<1x16xi32>,
      %mul3A_323 = arith.constant 128 : i32
      %mul3A_324 = arith.muli %scan3A_189, %mul3A_323 : i32
      %add3A_325 = arith.constant 112 : i32
      %add3A_326 = arith.addi %mul3A_324, %add3A_325 : i32
      %get3A_327 = arith.index_cast %add3A_326 : i32 to index
      %get3A_328 = tpu.vector_load %arg7[%get3A_327] {strides = array<i32>} : memref<10000xi32, #tpu.memory_space<vmem>>, vector<16xi32>,
      %get3A_329 = vector.shape_cast %get3A_328 : vector<16xi32> to vector<16xi32>
      %get3A_330 = arith.index_cast %add3A_326 : i32 to index
      %get3A_331 = tpu.vector_load %arg8[%get3A_330] {strides = array<i32>} : memref<10000xi32, #tpu.memory_space<vmem>>, vector<16xi32>,
      %get3A_332 = vector.shape_cast %get3A_331 : vector<16xi32> to vector<16xi32>
      %mul3A_333 = arith.constant 128 : i32
      %mul3A_334 = vector.broadcast %mul3A_333 : i32 to vector<16xi32>
      %mul3A_335 = arith.muli %get3A_332, %mul3A_334 : vector<16xi32>
      %add3A_336 = arith.addi %mul3A_335, %get3A_329 : vector<16xi32>
      %swap3A_337 = arith.index_cast %scan3A_189 : i32 to index
      %swap3A_338 = arith.constant 112 : index
      %swap3A_339 = tpu.vector_load %arg9[%swap3A_337, %swap3A_338] {strides = array<i32>} : memref<79x128xi32, #tpu.memory_space<vmem>>, vector<1x16xi32>,
      %swap3A_340 = vector.shape_cast %swap3A_339 : vector<1x16xi32> to vector<16xi32>
      %swap3A_341 = vector.shape_cast %add3A_336 : vector<16xi32> to vector<1x16xi32>
      tpu.vector_store %arg9[%swap3A_337, %swap3A_338], %swap3A_341 {strides = array<i32>} : memref<79x128xi32, #tpu.memory_space<vmem>>, vector<1x16xi32>,
    }
    %scan3A_85 = arith.constant 78 : i32
    %get3A = arith.constant 9984 : index
    %get3A_86 = tpu.vector_load %arg7[%get3A] {strides = array<i32>} : memref<10000xi32, #tpu.memory_space<vmem>>, vector<16xi32>,
    %get3A_87 = vector.shape_cast %get3A_86 : vector<16xi32> to vector<16xi32>
    %get3A_88 = arith.constant 9984 : index
    %get3A_89 = tpu.vector_load %arg8[%get3A_88] {strides = array<i32>} : memref<10000xi32, #tpu.memory_space<vmem>>, vector<16xi32>,
    %get3A_90 = vector.shape_cast %get3A_89 : vector<16xi32> to vector<16xi32>
    %mul3A_91 = arith.constant 128 : i32
    %mul3A_92 = vector.broadcast %mul3A_91 : i32 to vector<16xi32>
    %mul3A_93 = arith.muli %get3A_90, %mul3A_92 : vector<16xi32>
    %add3A_94 = arith.addi %mul3A_93, %get3A_87 : vector<16xi32>
    %swap3A_95 = arith.constant 78 : i32
    %swap3A_96 = arith.index_cast %swap3A_95 : i32 to index
    %swap3A_97 = arith.constant 0 : index
    %swap3A_98 = tpu.vector_load %arg9[%swap3A_96, %swap3A_97] {strides = array<i32>} : memref<79x128xi32, #tpu.memory_space<vmem>>, vector<1x16xi32>,
    %swap3A_99 = vector.shape_cast %swap3A_98 : vector<1x16xi32> to vector<16xi32>
    %swap3A_100 = vector.shape_cast %add3A_94 : vector<16xi32> to vector<1x16xi32>
    tpu.vector_store %arg9[%swap3A_96, %swap3A_97], %swap3A_100 {strides = array<i32>} : memref<79x128xi32, #tpu.memory_space<vmem>>, vector<1x16xi32>,
    %swap3A_101 = arith.constant 78 : i32
    %swap3A_102 = arith.index_cast %swap3A_101 : i32 to index
    %swap3A_103 = arith.constant 16 : index
    %swap3A_104 = tpu.vector_load %arg9[%swap3A_102, %swap3A_103] {strides = array<i32>} : memref<79x128xi32, #tpu.memory_space<vmem>>, vector<1x16xi32>,
    %swap3A_105 = vector.shape_cast %swap3A_104 : vector<1x16xi32> to vector<16xi32>
    %swap3A_106 = vector.shape_cast %broadcast_in_dim3A_10 : vector<16xi32> to vector<1x16xi32>
    tpu.vector_store %arg9[%swap3A_102, %swap3A_103], %swap3A_106 {strides = array<i32>} : memref<79x128xi32, #tpu.memory_space<vmem>>, vector<1x16xi32>,
    %swap3A_107 = arith.constant 78 : i32
    %swap3A_108 = arith.index_cast %swap3A_107 : i32 to index
    %swap3A_109 = arith.constant 32 : index
    %swap3A_110 = tpu.vector_load %arg9[%swap3A_108, %swap3A_109] {strides = array<i32>} : memref<79x128xi32, #tpu.memory_space<vmem>>, vector<1x16xi32>,
    %swap3A_111 = vector.shape_cast %swap3A_110 : vector<1x16xi32> to vector<16xi32>
    %swap3A_112 = vector.shape_cast %broadcast_in_dim3A_10 : vector<16xi32> to vector<1x16xi32>
    tpu.vector_store %arg9[%swap3A_108, %swap3A_109], %swap3A_112 {strides = array<i32>} : memref<79x128xi32, #tpu.memory_space<vmem>>, vector<1x16xi32>,
    %swap3A_113 = arith.constant 78 : i32
    %swap3A_114 = arith.index_cast %swap3A_113 : i32 to index
    %swap3A_115 = arith.constant 48 : index
    %swap3A_116 = tpu.vector_load %arg9[%swap3A_114, %swap3A_115] {strides = array<i32>} : memref<79x128xi32, #tpu.memory_space<vmem>>, vector<1x16xi32>,
    %swap3A_117 = vector.shape_cast %swap3A_116 : vector<1x16xi32> to vector<16xi32>
    %swap3A_118 = vector.shape_cast %broadcast_in_dim3A_10 : vector<16xi32> to vector<1x16xi32>
    tpu.vector_store %arg9[%swap3A_114, %swap3A_115], %swap3A_118 {strides = array<i32>} : memref<79x128xi32, #tpu.memory_space<vmem>>, vector<1x16xi32>,
    %swap3A_119 = arith.constant 78 : i32
    %swap3A_120 = arith.index_cast %swap3A_119 : i32 to index
    %swap3A_121 = arith.constant 64 : index
    %swap3A_122 = tpu.vector_load %arg9[%swap3A_120, %swap3A_121] {strides = array<i32>} : memref<79x128xi32, #tpu.memory_space<vmem>>, vector<1x16xi32>,
    %swap3A_123 = vector.shape_cast %swap3A_122 : vector<1x16xi32> to vector<16xi32>
    %swap3A_124 = vector.shape_cast %broadcast_in_dim3A_10 : vector<16xi32> to vector<1x16xi32>
    tpu.vector_store %arg9[%swap3A_120, %swap3A_121], %swap3A_124 {strides = array<i32>} : memref<79x128xi32, #tpu.memory_space<vmem>>, vector<1x16xi32>,
    %swap3A_125 = arith.constant 78 : i32
    %swap3A_126 = arith.index_cast %swap3A_125 : i32 to index
    %swap3A_127 = arith.constant 80 : index
    %swap3A_128 = tpu.vector_load %arg9[%swap3A_126, %swap3A_127] {strides = array<i32>} : memref<79x128xi32, #tpu.memory_space<vmem>>, vector<1x16xi32>,
    %swap3A_129 = vector.shape_cast %swap3A_128 : vector<1x16xi32> to vector<16xi32>
    %swap3A_130 = vector.shape_cast %broadcast_in_dim3A_10 : vector<16xi32> to vector<1x16xi32>
    tpu.vector_store %arg9[%swap3A_126, %swap3A_127], %swap3A_130 {strides = array<i32>} : memref<79x128xi32, #tpu.memory_space<vmem>>, vector<1x16xi32>,
    %swap3A_131 = arith.constant 78 : i32
    %swap3A_132 = arith.index_cast %swap3A_131 : i32 to index
    %swap3A_133 = arith.constant 96 : index
    %swap3A_134 = tpu.vector_load %arg9[%swap3A_132, %swap3A_133] {strides = array<i32>} : memref<79x128xi32, #tpu.memory_space<vmem>>, vector<1x16xi32>,
    %swap3A_135 = vector.shape_cast %swap3A_134 : vector<1x16xi32> to vector<16xi32>
    %swap3A_136 = vector.shape_cast %broadcast_in_dim3A_10 : vector<16xi32> to vector<1x16xi32>
    tpu.vector_store %arg9[%swap3A_132, %swap3A_133], %swap3A_136 {strides = array<i32>} : memref<79x128xi32, #tpu.memory_space<vmem>>, vector<1x16xi32>,
    %swap3A_137 = arith.constant 78 : i32
    %swap3A_138 = arith.index_cast %swap3A_137 : i32 to index
    %swap3A_139 = arith.constant 112 : index
    %swap3A_140 = tpu.vector_load %arg9[%swap3A_138, %swap3A_139] {strides = array<i32>} : memref<79x128xi32, #tpu.memory_space<vmem>>, vector<1x16xi32>,
    %swap3A_141 = vector.shape_cast %swap3A_140 : vector<1x16xi32> to vector<16xi32>
    %swap3A_142 = vector.shape_cast %broadcast_in_dim3A_10 : vector<16xi32> to vector<1x16xi32>
    tpu.vector_store %arg9[%swap3A_138, %swap3A_139], %swap3A_142 {strides = array<i32>} : memref<79x128xi32, #tpu.memory_space<vmem>>, vector<1x16xi32>,
    %mul3A_143 = arith.constant 80000 : i32
    %mul3A_144 = arith.muli %arg1, %mul3A_143 : i32
    %add3A_145 = arith.constant 0 : i32
    %add3A_146 = arith.addi %mul3A_144, %add3A_145 : i32
    %dma_wait3A_147 = tpu.memref_slice %arg6[%add3A_146] : memref<1280128xf32, #tpu.memory_space<vmem_shared>> -> memref<16000xf32, #tpu.memory_space<vmem_shared>>
    %dma_wait3A_148 = tpu.memref_slice %arg6[%add3A_146] : memref<1280128xf32, #tpu.memory_space<vmem_shared>> -> memref<16000xf32, #tpu.memory_space<vmem_shared>>
    tpu.wait_dma2 semaphore(%arg13 : memref<!tpu.dma_semaphore, #tpu.memory_space<semaphore_mem>>) src(%arg11 : memref<16000xf32, #tpu.memory_space<vmem>>) dst(%dma_wait3A_148 : memref<16000xf32, #tpu.memory_space<vmem_shared>>)
    %mul3A_149 = arith.constant 80000 : i32
    %mul3A_150 = arith.muli %arg1, %mul3A_149 : i32
    %add3A_151 = arith.constant 16000 : i32
    %add3A_152 = arith.addi %mul3A_150, %add3A_151 : i32
    %dma_wait3A_153 = tpu.memref_slice %arg6[%add3A_152] : memref<1280128xf32, #tpu.memory_space<vmem_shared>> -> memref<16000xf32, #tpu.memory_space<vmem_shared>>
    %dma_wait3A_154 = tpu.memref_slice %arg6[%add3A_152] : memref<1280128xf32, #tpu.memory_space<vmem_shared>> -> memref<16000xf32, #tpu.memory_space<vmem_shared>>
    tpu.wait_dma2 semaphore(%arg13 : memref<!tpu.dma_semaphore, #tpu.memory_space<semaphore_mem>>) src(%arg11 : memref<16000xf32, #tpu.memory_space<vmem>>) dst(%dma_wait3A_154 : memref<16000xf32, #tpu.memory_space<vmem_shared>>)
    %mul3A_155 = arith.constant 80000 : i32
    %mul3A_156 = arith.muli %arg1, %mul3A_155 : i32
    %add3A_157 = arith.constant 32000 : i32
    %add3A_158 = arith.addi %mul3A_156, %add3A_157 : i32
    %dma_wait3A_159 = tpu.memref_slice %arg6[%add3A_158] : memref<1280128xf32, #tpu.memory_space<vmem_shared>> -> memref<16000xf32, #tpu.memory_space<vmem_shared>>
    %dma_wait3A_160 = tpu.memref_slice %arg6[%add3A_158] : memref<1280128xf32, #tpu.memory_space<vmem_shared>> -> memref<16000xf32, #tpu.memory_space<vmem_shared>>
    tpu.wait_dma2 semaphore(%arg13 : memref<!tpu.dma_semaphore, #tpu.memory_space<semaphore_mem>>) src(%arg11 : memref<16000xf32, #tpu.memory_space<vmem>>) dst(%dma_wait3A_160 : memref<16000xf32, #tpu.memory_space<vmem_shared>>)
    %mul3A_161 = arith.constant 80000 : i32
    %mul3A_162 = arith.muli %arg1, %mul3A_161 : i32
    %add3A_163 = arith.constant 48000 : i32
    %add3A_164 = arith.addi %mul3A_162, %add3A_163 : i32
    %dma_wait3A_165 = tpu.memref_slice %arg6[%add3A_164] : memref<1280128xf32, #tpu.memory_space<vmem_shared>> -> memref<16000xf32, #tpu.memory_space<vmem_shared>>
    %dma_wait3A_166 = tpu.memref_slice %arg6[%add3A_164] : memref<1280128xf32, #tpu.memory_space<vmem_shared>> -> memref<16000xf32, #tpu.memory_space<vmem_shared>>
    tpu.wait_dma2 semaphore(%arg13 : memref<!tpu.dma_semaphore, #tpu.memory_space<semaphore_mem>>) src(%arg11 : memref<16000xf32, #tpu.memory_space<vmem>>) dst(%dma_wait3A_166 : memref<16000xf32, #tpu.memory_space<vmem_shared>>)
    %mul3A_167 = arith.constant 80000 : i32
    %mul3A_168 = arith.muli %arg1, %mul3A_167 : i32
    %add3A_169 = arith.constant 64000 : i32
    %add3A_170 = arith.addi %mul3A_168, %add3A_169 : i32
    %dma_wait3A_171 = tpu.memref_slice %arg6[%add3A_170] : memref<1280128xf32, #tpu.memory_space<vmem_shared>> -> memref<16000xf32, #tpu.memory_space<vmem_shared>>
    %dma_wait3A_172 = tpu.memref_slice %arg6[%add3A_170] : memref<1280128xf32, #tpu.memory_space<vmem_shared>> -> memref<16000xf32, #tpu.memory_space<vmem_shared>>
    tpu.wait_dma2 semaphore(%arg13 : memref<!tpu.dma_semaphore, #tpu.memory_space<semaphore_mem>>) src(%arg11 : memref<16000xf32, #tpu.memory_space<vmem>>) dst(%dma_wait3A_172 : memref<16000xf32, #tpu.memory_space<vmem_shared>>)
    %barrier3A = arith.constant 0 : index
    tpu.barrier barrier_id(%barrier3A)
    %scan3A_173 = arith.constant 0 : i32
    %scan3A_174 = arith.constant 0 : i32
    %scan3A_175 = arith.constant 103 : i32
    %scan3A_176 = arith.addi %scan3A_174, %scan3A_175 : i32
    %scan3A_177 = arith.constant 1 : i32
    scf.for %scan3A_189 = %scan3A_174 to %scan3A_176 step %scan3A_177  : i32 {
      %lt3A = arith.constant 79 : i32
      %lt3A_190 = arith.cmpi slt, %scan3A_189, %lt3A : i32
      %convert_element_type3A_191 = arith.extui %lt3A_190 : i1 to i32
      %cond3A_192 = arith.constant 0 : i32
      %cond3A_193 = arith.cmpi ne, %convert_element_type3A_191, %cond3A_192 : i32
      scf.if %cond3A_193 {
        %dma_start3A_198 = arith.constant 0 : i32
        %dma_start3A_199 = tpu.memref_slice %arg9[%scan3A_189, %dma_start3A_198] : memref<79x128xi32, #tpu.memory_space<vmem>> -> memref<1x128xi32, #tpu.memory_space<vmem>>
        %dma_start3A_200 = tpu.memref_squeeze %dma_start3A_199 : memref<1x128xi32, #tpu.memory_space<vmem>> -> memref<128xi32, #tpu.memory_space<vmem>>
        %dma_start3A_201 = arith.constant 0 : i32
        %dma_start3A_202 = tpu.memref_slice %arg6[%dma_start3A_201] : memref<1280128xf32, #tpu.memory_space<vmem_shared>> -> memref<1280128xf32, #tpu.memory_space<vmem_shared>>
        tpu.enqueue_indirect_dma source(%arg10 : memref<128xf32, #tpu.memory_space<vmem>>) target(%dma_start3A_202 : memref<1280128xf32, #tpu.memory_space<vmem_shared>>) offsets(%dma_start3A_200 : memref<128xi32, #tpu.memory_space<vmem>>) semaphore(%arg14 : memref<!tpu.dma_semaphore, #tpu.memory_space<semaphore_mem>>) {add = true}
      } else {
      }
      %ge3A = arith.constant 24 : i32
      %ge3A_194 = arith.cmpi sge, %scan3A_189, %ge3A : i32
      %convert_element_type3A_195 = arith.extui %ge3A_194 : i1 to i32
      %cond3A_196 = arith.constant 0 : i32
      %cond3A_197 = arith.cmpi ne, %convert_element_type3A_195, %cond3A_196 : i32
      scf.if %cond3A_197 {
        %sub3A = arith.constant 24 : i32
        %sub3A_198 = arith.subi %scan3A_189, %sub3A : i32
        %dma_wait3A_199 = arith.constant 0 : i32
        %dma_wait3A_200 = tpu.memref_slice %arg9[%sub3A_198, %dma_wait3A_199] : memref<79x128xi32, #tpu.memory_space<vmem>> -> memref<1x128xi32, #tpu.memory_space<vmem>>
        %dma_wait3A_201 = tpu.memref_squeeze %dma_wait3A_200 : memref<1x128xi32, #tpu.memory_space<vmem>> -> memref<128xi32, #tpu.memory_space<vmem>>
        %dma_wait3A_202 = arith.constant 0 : i32
        %dma_wait3A_203 = tpu.memref_slice %arg6[%dma_wait3A_202] : memref<1280128xf32, #tpu.memory_space<vmem_shared>> -> memref<1280128xf32, #tpu.memory_space<vmem_shared>>
        tpu.wait_indirect_dma semaphore(%arg14 : memref<!tpu.dma_semaphore, #tpu.memory_space<semaphore_mem>>) src(%arg10 : memref<128xf32, #tpu.memory_space<vmem>>) dst(%dma_wait3A_203 : memref<1280128xf32, #tpu.memory_space<vmem_shared>>)
      } else {
      }
    }
    %scan3A_178 = arith.constant 103 : i32
    %barrier3A_179 = arith.constant 0 : index
    tpu.barrier barrier_id(%barrier3A_179)
    %mul3A_180 = arith.constant 80000 : i32
    %mul3A_181 = arith.muli %arg1, %mul3A_180 : i32
    %eq3A = arith.constant 0 : i32
    %eq3A_182 = arith.cmpi eq, %arg0, %eq3A : i32
    %convert_element_type3A = arith.extui %eq3A_182 : i1 to i32
    %cond3A = arith.constant 0 : i32
    %cond3A_183 = arith.cmpi ne, %convert_element_type3A, %cond3A : i32
    scf.if %cond3A_183 {
      %mul3A_189 = arith.constant 80000 : i32
      %mul3A_190 = arith.muli %arg1, %mul3A_189 : i32
      "tpu.region"() ({
        %run_scoped3A = tpu.sem_alloc : memref<!tpu.dma_semaphore, #tpu.memory_space<semaphore_mem>>
        %dma_start3A_191 = tpu.memref_slice %arg4[%mul3A_190] : memref<1280000xf32, #tpu.memory_space<hbm>> -> memref<80000xf32, #tpu.memory_space<hbm>>
        %dma_start3A_192 = tpu.memref_slice %arg6[%mul3A_181] : memref<1280128xf32, #tpu.memory_space<vmem_shared>> -> memref<80000xf32, #tpu.memory_space<vmem_shared>>
        tpu.enqueue_dma source(%dma_start3A_192 : memref<80000xf32, #tpu.memory_space<vmem_shared>>) target(%dma_start3A_191 : memref<80000xf32, #tpu.memory_space<hbm>>) target_semaphore(%run_scoped3A : memref<!tpu.dma_semaphore, #tpu.memory_space<semaphore_mem>>)
        %dma_wait3A_193 = tpu.memref_slice %arg4[%mul3A_190] : memref<1280000xf32, #tpu.memory_space<hbm>> -> memref<80000xf32, #tpu.memory_space<hbm>>
        %dma_wait3A_194 = tpu.memref_slice %arg6[%mul3A_181] : memref<1280128xf32, #tpu.memory_space<vmem_shared>> -> memref<80000xf32, #tpu.memory_space<vmem_shared>>
        tpu.wait_dma2 semaphore(%run_scoped3A : memref<!tpu.dma_semaphore, #tpu.memory_space<semaphore_mem>>) src(%dma_wait3A_194 : memref<80000xf32, #tpu.memory_space<vmem_shared>>) dst(%dma_wait3A_193 : memref<80000xf32, #tpu.memory_space<hbm>>)
        tpu.yield
      }) : () -> ()
    } else {
    }
    %eq3A_184 = arith.constant 1 : i32
    %eq3A_185 = arith.cmpi eq, %arg0, %eq3A_184 : i32
    %convert_element_type3A_186 = arith.extui %eq3A_185 : i1 to i32
    %cond3A_187 = arith.constant 0 : i32
    %cond3A_188 = arith.cmpi ne, %convert_element_type3A_186, %cond3A_187 : i32
    scf.if %cond3A_188 {
      %mul3A_189 = arith.constant 80000 : i32
      %mul3A_190 = arith.muli %arg1, %mul3A_189 : i32
      "tpu.region"() ({
        %run_scoped3A = tpu.sem_alloc : memref<!tpu.dma_semaphore, #tpu.memory_space<semaphore_mem>>
        %dma_start3A_191 = tpu.memref_slice %arg5[%mul3A_190] : memref<1280000xf32, #tpu.memory_space<hbm>> -> memref<80000xf32, #tpu.memory_space<hbm>>
        %dma_start3A_192 = tpu.memref_slice %arg6[%mul3A_181] : memref<1280128xf32, #tpu.memory_space<vmem_shared>> -> memref<80000xf32, #tpu.memory_space<vmem_shared>>
        tpu.enqueue_dma source(%dma_start3A_192 : memref<80000xf32, #tpu.memory_space<vmem_shared>>) target(%dma_start3A_191 : memref<80000xf32, #tpu.memory_space<hbm>>) target_semaphore(%run_scoped3A : memref<!tpu.dma_semaphore, #tpu.memory_space<semaphore_mem>>)
        %dma_wait3A_193 = tpu.memref_slice %arg5[%mul3A_190] : memref<1280000xf32, #tpu.memory_space<hbm>> -> memref<80000xf32, #tpu.memory_space<hbm>>
        %dma_wait3A_194 = tpu.memref_slice %arg6[%mul3A_181] : memref<1280128xf32, #tpu.memory_space<vmem_shared>> -> memref<80000xf32, #tpu.memory_space<vmem_shared>>
        tpu.wait_dma2 semaphore(%run_scoped3A : memref<!tpu.dma_semaphore, #tpu.memory_space<semaphore_mem>>) src(%dma_wait3A_194 : memref<80000xf32, #tpu.memory_space<vmem_shared>>) dst(%dma_wait3A_193 : memref<80000xf32, #tpu.memory_space<hbm>>)
        tpu.yield
      }) : () -> ()
    } else {
    }
    return
  }
}

module attributes {stable_mosaic.version = 14 : i64} {
  func.func @_combine_body(%arg0: i32, %arg1: memref<2000x128xf32, #tpu.memory_space<vmem>>, %arg2: memref<2000x128xf32, #tpu.memory_space<vmem>>, %arg3: memref<2000x128xf32, #tpu.memory_space<vmem>>, %arg4: memref<128x128xf32, #tpu.memory_space<vmem>>, %arg5: memref<1x128xf32, #tpu.memory_space<vmem>>, %arg6: memref<2000x128xf32, #tpu.memory_space<vmem>>) attributes {dimension_semantics = [#tpu.dimension_semantics<arbitrary>], iteration_bounds = array<i64: 5>, scalar_prefetch = 0 : i64, scratch_operands = 0 : i64, tpu.core_type = #tpu.core_type<tc>, window_params = [{transform_indices = @transform_0, window_bounds = array<i64: 2000, 128>}, {transform_indices = @transform_1, window_bounds = array<i64: 2000, 128>}, {transform_indices = @transform_2, window_bounds = array<i64: 2000, 128>}, {pipeline_mode = #tpu.pipeline_mode<synchronous>, transform_indices = @transform_3, window_bounds = array<i64: 128, 128>}, {pipeline_mode = #tpu.pipeline_mode<synchronous>, transform_indices = @transform_4, window_bounds = array<i64: 1, 128>}, {transform_indices = @transform_5, window_bounds = array<i64: 2000, 128>}]} {
    %get3A = arith.constant 0 : index
    %get3A_0 = arith.constant 0 : index
    %get3A_1 = vector.load %arg1[%get3A, %get3A_0] : memref<2000x128xf32, #tpu.memory_space<vmem>>, vector<2000x128xf32>
    %get3A_2 = arith.constant 0 : index
    %get3A_3 = arith.constant 0 : index
    %get3A_4 = vector.load %arg2[%get3A_2, %get3A_3] : memref<2000x128xf32, #tpu.memory_space<vmem>>, vector<2000x128xf32>
    %add3A = arith.addf %get3A_1, %get3A_4 : vector<2000x128xf32>
    %get3A_5 = arith.constant 0 : index
    %get3A_6 = arith.constant 0 : index
    %get3A_7 = vector.load %arg4[%get3A_5, %get3A_6] : memref<128x128xf32, #tpu.memory_space<vmem>>, vector<128x128xf32>
    %get3A_8 = arith.constant 0 : index
    %get3A_9 = arith.constant 0 : index
    %get3A_10 = vector.load %arg5[%get3A_8, %get3A_9] : memref<1x128xf32, #tpu.memory_space<vmem>>, vector<1x128xf32>
    %add3A_11 = vector.broadcast %get3A_10 : vector<1x128xf32> to vector<128x128xf32>
    %add3A_12 = arith.addf %get3A_7, %add3A_11 : vector<128x128xf32>
    %get3A_13 = arith.constant 0 : index
    %get3A_14 = arith.constant 0 : index
    %get3A_15 = vector.load %arg3[%get3A_13, %get3A_14] : memref<2000x128xf32, #tpu.memory_space<vmem>>, vector<2000x128xf32>
    %dot_general3A = arith.constant dense<0.000000e+00> : vector<2000x128xf32>
    %dot_general3A_16 = tpu.matmul %add3A, %add3A_12, %dot_general3A {dimension_numbers = #tpu.dot_dimension_numbers<[1], [0], [0], [1], [0, 0, 1, 1], [], []>, transpose_lhs_hint = false} : vector<2000x128xf32>, vector<128x128xf32>, vector<2000x128xf32> -> vector<2000x128xf32>
    %add3A_17 = arith.addf %get3A_15, %dot_general3A_16 : vector<2000x128xf32>
    %swap3A = arith.constant 0 : index
    %swap3A_18 = arith.constant 0 : index
    %swap3A_19 = vector.load %arg6[%swap3A, %swap3A_18] : memref<2000x128xf32, #tpu.memory_space<vmem>>, vector<2000x128xf32>
    tpu.vector_store %arg6[%swap3A, %swap3A_18], %add3A_17 {strides = array<i32>} : memref<2000x128xf32, #tpu.memory_space<vmem>>, vector<2000x128xf32>,
    return
  }
  func.func @transform_0(%arg0: i32) -> (i32, i32) {
    %c0_i32 = arith.constant 0 : i32
    %c0_i32_0 = arith.constant 0 : i32
    return %arg0, %c0_i32 : i32, i32
  }
  func.func @transform_1(%arg0: i32) -> (i32, i32) {
    %c0_i32 = arith.constant 0 : i32
    %c0_i32_0 = arith.constant 0 : i32
    return %arg0, %c0_i32 : i32, i32
  }
  func.func @transform_2(%arg0: i32) -> (i32, i32) {
    %c0_i32 = arith.constant 0 : i32
    %c0_i32_0 = arith.constant 0 : i32
    return %arg0, %c0_i32 : i32, i32
  }
  func.func @transform_3(%arg0: i32) -> (i32, i32) {
    %c0_i32 = arith.constant 0 : i32
    %c0_i32_0 = arith.constant 0 : i32
    %c0_i32_1 = arith.constant 0 : i32
    return %c0_i32, %c0_i32_0 : i32, i32
  }
  func.func @transform_4(%arg0: i32) -> (i32, i32) {
    %c0_i32 = arith.constant 0 : i32
    %c0_i32_0 = arith.constant 0 : i32
    %c0_i32_1 = arith.constant 0 : i32
    return %c0_i32, %c0_i32_0 : i32, i32
  }
  func.func @transform_5(%arg0: i32) -> (i32, i32) {
    %c0_i32 = arith.constant 0 : i32
    %c0_i32_0 = arith.constant 0 : i32
    return %arg0, %c0_i32 : i32, i32
  }
}

</mosaic_0001>

<sc_bundles>
// kernel: kernel.4.cloned.1.call-start
scs
__scs_entry_jumppad:
0x0: {  	(pc) =	sbr.rel $0x88, $3  }
0x1: {  	(tag) =	ssettag $0x0;
	lr =	simm.s32 $0x1  }
0x2: {  	[smem:$0x3F9C] =	sst lr;
	_ =	strace $0xD0000000  }
0x3: {  	_ = 	snop  }
0x4: {  	_ = 	snop  }
0x5: {  	_ = 	snop  }
0x6: {  	_ = 	snop  }
0x7: {  	_ = 	snop  }
__scs_overlays_trampoline_lowered:
0x8: {  	[smem:$0x3FAB] =	sst s0  }
0x9: {  	[smem:$0x3FAC] =	sst s1  }
0xa: {  	[smem:$0x3FAD] =	sst s2  }
0xb: {  	[smem:$0x3FAE] =	sst s3  }
0xc: {  	[smem:$0x3FAF] =	sst s4  }
0xd: {  	[smem:$0x3FB0] =	sst s5  }
0xe: {  	[smem:$0x3FB1] =	sst s6  }
0xf: {  	[smem:$0x3FB2] =	sst s7  }
0x10: {  	[smem:$0x3FB3] =	sst s8  }
0x11: {  	[smem:$0x3FB4] =	sst s9;
	s0 =	simm.s32 @!p0 $0x0  }
0x12: {  	s1 =	sld [smem:$0x3F9A];
	s0 =	simm.s32 @p0 $0x1  }
0x13: {  	[smem:$0x3FB5] =	sst s0;
	s0 =	simm.s32 @!p1 $0x0  }
0x14: {  	s2 =	sld [smem:$0x3F99];
	s0 =	simm.s32 @p1 $0x1  }
0x15: {  	[smem:$0x3FB6] =	sst s0;
	s0 =	simm.s32 @!p2 $0x0  }
0x16: {  	s3 =	sld [smem:$0x3FDB];
	s0 =	simm.s32 @p2 $0x1  }
0x17: {  	s4 =	simm.s32 $0x1BF5;
	[smem:$0x3FB8] =	sst s0  }
0x18: {  	s0 =	sld [smem:$0x3F9B];
	_ =	swait.ge [sflag:s4], $0x0  }
0x19: {  	s7 =	sld [smem:$0x3F9C]  }
0x1a: {  	s8 =	sadd.s32 $0xFFFFE003, lr  }
0x1b: {  	s9 =	sadd.s32 $0xFFFFFEF7, lr;
	s5 =	simm.s32 $0xFFFFFFFF;
	p2 =	slt.u32 s8, $0xFFFFF086  }
0x1c: {  	p1 =	slt.u32 s9, $0xF7A;
	s5 =	simm.s32 @!p2 $0x0  }
0x1d: {  	s5 =	simm.s32 @p1 $0x1;
	p0 =	seq.s32 s7, s2  }
0x1e: {  	s7 =	smul.u32 @!p0 $0xF7A, s2;
	p2 =	seq.s32 @!p0 s5, $0x0  }
0x1f: {  	s9 =	smul.u32 $0xF7A, s1;
	s8 =	simm.s32 @!p0 $0x1BF5;
	p2 =	por !p2, p0  }
0x20: {  	[sflag:s8] =	ssyncset.s32 @!p0 $0xFFFFF086;
	s6 =	sadd.s32 @!p0 s3, s7;
	s7 =	simm.s32 @!p0 $0x108  }
0x21: {  	s3 =	sadd.s32 s3, s9;
	s6 =	sadd.s32 @!p0 $0x88, s6;
	s7 =	simm.s32 @p2 $0x1082  }
0x22: {  	[simem:s7], [sflag:s8] =	dma.local @!p0 [hbm:s6], $0xF7A  }
0x23: {  	s9 =	sor.u32 $0xD0000000, s2;
	s6 =	simm.s32 $0x108;
	_ =	swait.ge @!p0 [sflag:s8], $0x0  }
0x24: {  	s3 =	sadd.s32 $0x88, s3;
	s6 =	simm.s32 @!p1 $0x1082;
	[sflag:s4] =	ssyncset.s32 $0xFFFFF086  }
0x25: {  	[simem:s6], [sflag:s4] =	dma.local [hbm:s3], $0xF7A  }
0x26: {  	[smem:$0x3F9C] =	sst s1;
	(tag) =	ssettag s2;
	_ =	strace s9  }
0x27: {  	s1 =	sld [smem:$0x3FAC]  }
0x28: {  	s2 =	sld [smem:$0x3FAD]  }
0x29: {  	s4 =	sld [smem:$0x3FAF]  }
0x2a: {  	p0 =	seq.s32 s5, $0x0;
	s5 =	sld [smem:$0x3FB0]  }
0x2b: {  	s6 =	sld [smem:$0x3FB1]  }
0x2c: {  	s7 =	sld [smem:$0x3FB2]  }
0x2d: {  	s3 =	simm.s32 $0x108;
	s8 =	sld [smem:$0x3FB3]  }
0x2e: {  	s3 =	simm.s32 @!p0 $0x1082;
	s9 =	sld [smem:$0x3FB4]  }
0x2f: {  	lr =	sadd.s32 s0, s3;
	s0 =	sld [smem:$0x3FAB]  }
0x30: {  	s3 =	sld [smem:$0x3FAE]  }
0x31: {  	[smem:$0x3FB7] =	sst s10  }
0x32: {  	s10 =	sld [smem:$0x3FB5];
	_ =	sdelay $0x3  }
0x33: {  	p0 =	seq.s32 s10, $0x1;
	s10 =	sld [smem:$0x3FB7];
	_ =	sdelay $0x3  }
0x34: {  	[smem:$0x3FB7] =	sst s10  }
0x35: {  	s10 =	sld [smem:$0x3FB6];
	_ =	sdelay $0x3  }
0x36: {  	p1 =	seq.s32 s10, $0x1;
	s10 =	sld [smem:$0x3FB7];
	_ =	sdelay $0x3  }
0x37: {  	[smem:$0x3FB7] =	sst s10  }
0x38: {  	s10 =	sld [smem:$0x3FB8]  }
0x39: {  	_ = 	snop;
	(pc) =	sbr.ind lr, $3  }
0x3a: {  	_ = 	snop  }
0x3b: {  	_ = 	snop  }
0x3c: {  	p2 =	seq.s32 s10, $0x1;
	s10 =	sld [smem:$0x3FB7]  }
0x3d: {  	_ =	shalt  }
0x3e: {  	_ =	shalt  }
0x3f: {  	_ =	shalt  }
0x40: {  	_ =	shalt  }
0x41: {  	_ =	shalt  }
0x42: {  	_ =	shalt  }
0x43: {  	_ =	shalt  }
0x44: {  	_ =	shalt  }
0x45: {  	_ =	shalt  }
0x46: {  	_ =	shalt  }
0x47: {  	_ =	shalt  }
0x48: {  	_ =	shalt  }
0x49: {  	_ =	shalt  }
0x4a: {  	_ =	shalt  }
0x4b: {  	_ =	shalt  }
0x4c: {  	_ =	shalt  }
0x4d: {  	_ =	shalt  }
0x4e: {  	_ =	shalt  }
0x4f: {  	_ =	shalt  }
0x50: {  	_ =	shalt  }
0x51: {  	_ =	shalt  }
0x52: {  	_ =	shalt  }
0x53: {  	_ =	shalt  }
0x54: {  	_ =	shalt  }
0x55: {  	_ =	shalt  }
0x56: {  	_ =	shalt  }
0x57: {  	_ =	shalt  }
0x58: {  	_ =	shalt  }
0x59: {  	_ =	shalt  }
0x5a: {  	_ =	shalt  }
0x5b: {  	_ =	shalt  }
0x5c: {  	_ =	shalt  }
0x5d: {  	_ =	shalt  }
0x5e: {  	_ =	shalt  }
0x5f: {  	_ =	shalt  }
0x60: {  	_ =	shalt  }
0x61: {  	_ =	shalt  }
0x62: {  	_ =	shalt  }
0x63: {  	_ =	shalt  }
0x64: {  	_ =	shalt  }
0x65: {  	_ =	shalt  }
0x66: {  	_ =	shalt  }
0x67: {  	_ =	shalt  }
0x68: {  	_ =	shalt  }
0x69: {  	_ =	shalt  }
0x6a: {  	_ =	shalt  }
0x6b: {  	_ =	shalt  }
0x6c: {  	_ =	shalt  }
0x6d: {  	_ =	shalt  }
0x6e: {  	_ =	shalt  }
0x6f: {  	_ =	shalt  }
0x70: {  	_ =	shalt  }
0x71: {  	_ =	shalt  }
0x72: {  	_ =	shalt  }
0x73: {  	_ =	shalt  }
0x74: {  	_ =	shalt  }
0x75: {  	_ =	shalt  }
0x76: {  	_ =	shalt  }
0x77: {  	_ =	shalt  }
0x78: {  	_ =	shalt  }
0x79: {  	_ =	shalt  }
0x7a: {  	_ =	shalt  }
0x7b: {  	_ =	shalt  }
0x7c: {  	_ =	shalt  }
0x7d: {  	_ =	shalt  }
0x7e: {  	_ =	shalt  }
0x7f: {  	_ =	shalt  }
0x80: {  	_ =	shalt  }
0x81: {  	_ =	shalt  }
0x82: {  	_ =	shalt  }
0x83: {  	_ =	shalt  }
0x84: {  	_ =	shalt  }
0x85: {  	_ =	shalt  }
0x86: {  	_ =	shalt  }
0x87: {  	_ =	shalt  }
.Lfunc_end0:
.L_simem_size_0:
called_computation_lowered:
.L_overlay_start_0:
0x88: {  	s2 =	sld [smem:$0x3FD9]  }
0x89: {  	s3 =	sld [smem:$0x3FFE];
	_ =	sdelay $0x1  }
0x8a: {  	s1 =	srdreg.scid  }
0x8b: {  	s0 =	sand.u32 $0x1, s1  }
0x8c: {  	s17 =	sshll.u32 s0, $0xA;
	s2 =	sadd.s32 s3, s2  }
0x8d: {  	s2 =	sadd.s32 s2, s17  }
0x8e: {  	[smem:$0x3FC3] =	sst s2  }
0x8f: {  	_ = 	snop  }
0x90: {  	s2 =	sld [smem:$0x3FC8]  }
0x91: {  	s18 =	sld [smem:$0x3FC7]  }
0x92: {  	s4 =	sld [smem:$0x3FD0];
	(tm) =	ssettm $0x1  }
0x93: {  	s5 =	sld [smem:$0x3FFB];
	_ =	sdelay $0x3  }
0x94: {  	_ =	strace s5  }
0x95: {  	s5 =	sld [smem:$0x3FFC];
	_ =	sdelay $0x3  }
0x96: {  	_ =	strace s5  }
0x97: {  	s5 =	sld [smem:$0x3FFD];
	_ =	sdelay $0x3  }
0x98: {  	_ =	strace s5  }
0x99: {  	_ =	strace $0x8FFFFFFF  }
0x9a: {  	s19 =	sld [smem:$0x3FDB];
	_ =	sdelay $0x1  }
0x9b: {  	s6 =	simm.s32 $_scs_section_size  }
0x9c: {  	s7 =	simm.s32 $_size__tile_overlayer_lowered;
	s8 =	simm.s32 $_tile_overlayer_lowered  }
0x9d: {  	s22 =	simm.s32 $0x1BFF;
	s21 =	sshll.u32 s8, $0x1;
	s5 =	sadd.s32 s6, s19  }
0x9e: {  	s9 =	simm.s32 $0x0;
	s20 =	sshll.u32 s7, $0x1;
	s7 =	sadd.s32 s21, s5  }
0x9f: {  	[timem:s9], [sflag:s22] =	dma.local [hbm:s7], s20  }
0xa0: {  	_ =	swait.ge [sflag:s22], s20  }
0xa1: {  	s6 =	ssub.s32 $0x0, s20;
	[sflag:s22] =	ssyncset.done $0x0  }
0xa2: {  	[sflag:s22] =	ssyncadd.s32 s6;
	_ =	sdelay $0x1  }
0xa3: {  	s23 =	simm.s32 $0x1B8B  }
0xa4: {  	_ =	swait.ge [sflag:s23], $0x1  }
0xa5: {  	[sflag:s23] =	ssyncset.done $0x0  }
0xa6: {  	s25 =	simm.s32 $0x1B8E;
	s24 =	sld [smem:$0x3FFE];
	[sflag:s23] =	ssyncadd.s32 $0xFFFFFFFF  }
0xa7: {  	s26 =	simm.s32 $execute0_lowered;
	[smem:$0x3FD2] =	sst s25  }
0xa8: {  	s7 =	sshll.u32 s26, $0x1;
	_ =	strace $0x80000046;
	[dreg:$0x1] =	wrdreg $0xFFFFFFFF  }
0xa9: {  	s28 =	simm.s32 $_size_execute0_lowered;
	s5 =	sadd.s32 s5, s7;
	[dreg:$0x0] =	wrdreg $0x0  }
0xaa: {  	s7 =	sshll.u32 s28, $0x1;
	[dreg:$0x2] =	wrdreg s5  }
0xab: {  	[dreg:$0x3] =	wrdreg s7  }
0xac: {  	[dreg:$0x4] =	wrdreg $0xC0  }
0xad: {  	_ =	task [dreg:s9], $0x5FFFF  }
0xae: {  	[dreg:$0x1] =	wrdreg $0xFFFFFFFF  }
0xaf: {  	[dreg:$0x0] =	wrdreg $0x60  }
0xb0: {  	[dreg:$0x2] =	wrdreg s2  }
0xb1: {  	[dreg:$0x3] =	wrdreg s18  }
0xb2: {  	[dreg:$0x4] =	wrdreg s4  }
0xb3: {  	[dreg:$0x5] =	wrdreg s24  }
0xb4: {  	[dreg:$0x6] =	wrdreg $0x0  }
0xb5: {  	[dreg:$0x7] =	wrdreg $0x9  }
0xb6: {  	_ =	task.clear_ibuf [dreg:s9], $0x8FFFF;
	_ =	strace $0x90000046  }
0xb7: {  	s29 =	simm.s32 $0x9;
	_ =	strace $0x80000048  }
0xb8: {  	_ =	swait.ge [sflag:s29], $0x1  }
0xb9: {  	[sflag:s29] =	ssyncadd.s32 $0xFFFFFFFF  }
0xba: {  	_ =	strace $0x90000048  }
0xbb: {  	_ =	sfence  }
0xbc: {  	s30 =	sld [smem:$0x0];
	_ =	sdelay $0x2  }
0xbd: {  	s31 =	sshll.u32 s1, $0xD;
	s1 =	sshrl.u32 s1, $0x2  }
0xbe: {  	s3 =	sand.u32 $0x4000, s31;
	s1 =	sadd.s32 s1, s30  }
0xbf: {  	s0 =	sor.u32 s3, s0;
	s1 =	sshll.u32 s1, $0x11  }
0xc0: {  	s0 =	sor.u32 s1, s0  }
0xc1: {  	s0 =	sadd.s32 $0x8F2B, s0  }
0xc2: {  	[sflag:s0] =	ssyncadd.remote.s32 $0x1  }
0xc3: {  	_ =	sfence.sel $0xFFFF  }
0xc4: {  	[dreg:$0x0] =	wrdreg $0xFFFFFFFF;
	(pc) =	sbr.abs _section_cstart, $3  }
0xc5: {  	[dreg:$0x1] =	wrdreg $0xFFFFFFFF  }
0xc6: {  	_ =	task.clear_ibuf [dreg:s9], $0x2FFFF;
	_ =	strace $0x9FFFFFFF  }
0xc7: {  	(tm) =	ssettm $0x7FFFFFFF  }
tec
execute0_lowered:
.L_overlay_start_1:
0x0: {  	(tag) =	ssettag $0x1  }
0x1: {  	s4 =	rddreg [dreg:$0x0]  }
0x2: {  	s6 =	rddreg [dreg:$0x1]  }
0x3: {  	s12 =	rddreg [dreg:$0x2]  }
0x4: {  	s5 =	rddreg [dreg:$0x3]  }
0x5: {  	s0 =	srdreg.scid;
	s2 =	rddreg [dreg:$0x4];
	s3 =	simm.s32 $0x0  }
0x6: {  	s16 =	simm.s32 $0x1;
	s17 =	simm.s32 $0x2;
	s18 =	simm.s32 $0x3  }
0x7: {  	s19 =	simm.s32 $0x4;
	s20 =	simm.s32 $0x0;
	s11 =	sand.u32 $0x1, s0  }
0x8: {  	s0 =	stileid.u32;
	[smem:$0x7FF] =	sst s3;
	s14 =	sadd.s32 $0x1200, s5  }
0x9: {  	s1 =	sshll.u32 s11, $0x4;
	s8 =	ssub.s32 $0x2, s11;
	s13 =	smul.u32 $0x13880, s0  }
0xa: {  	p0 =	seq.s32 s11, $0x1;
	s7 =	sor.u32 s0, s1;
	s1 =	rddreg [dreg:$0x5]  }
0xb: {  	_ =	strace $0x80000047;
	s31 =	sshrl.u32 s8, $0x1;
	s12 =	smov.u32 @p0 s14  }
0xc: {  	s14 =	simm.s32 $0x16008;
	s7 =	smul.u32 $0x4E2, s7;
	s5 =	sadd.s32 s13, s2  }
0xd: {  	s15 =	ssub.s32 s8, s31;
	s13 =	sshrl.u32 s13, $0x3;
	s8 =	sadd.s32 $0x7D00, s5  }
0xe: {  	s9 =	sadd.s32 $0xBB80, s5;
	s10 =	sadd.s32 $0xFA00, s5;
	s11 =	smax.u32 s15, $0x1  }
0xf: {  	s12 =	sadd.s32 s12, s13;
	s13 =	simm.s32 $0x13888;
	s15 =	simm.s32 $0x1B008  }
0x10: {  	v0 =	vimm.f32 $0.0e+00;
	v1 =	vimm.f32 $1.000000000e+00;
	v2 =	vimm.s32 $0x138800;
	s4 =	sadd.s32 s4, s7;
	s6 =	sadd.s32 s6, s7;
	s7 =	sadd.s32 $0x3E80, s5  }
.LBB2_1:
0x11: {  	[tilespmem:s13], [sflag:$0x1] =	stream.linear.gather [hbm4b:s4+s3], $0x2710, $0x38;
	[tilespmem:$0x1EE88] =	vst v63  }
0x12: {  	s21 =	simm.s32 $0x0;
	s22 =	simm.s32 $0x200  }
0x13: {  	[tilespmem:s14], [sflag:$0x1] =	stream.linear.gather [hbm4b:s6+s3], $0x2710, $0x38;
	[tilespmem:$0x1EE88] =	vst v63  }
.LBB2_2:
0x14: {  	p0 =	sne.s32 s22, $0xF800;
	[tilespmem:s21+$0x1B078] =	vst v0  }
0x15: {  	[tilespmem:s21+$0x1B008] =	vst v0  }
0x16: {  	[tilespmem:s21+$0x1B018] =	vst v0  }
.Ltmp0:
0x17: {  	[tilespmem:s21+$0x1B028] =	vst v0;
	(pc) =	sbr.rel @p0 .LBB2_2-.Ltmp0, $4  }
0x18: {  	[tilespmem:s21+$0x1B038] =	vst v0  }
0x19: {  	[tilespmem:s21+$0x1B048] =	vst v0  }
0x1a: {  	[tilespmem:s21+$0x1B058] =	vst v0  }
0x1b: {  	[tilespmem:s21+$0x1B068] =	vst v0;
	s21 =	sshra.s32 s22, $0x2;
	s22 =	sadd.s32 $0x200, s22  }
0x1c: {  	[tilespmem:s21+$0x1B078] =	vst v0  }
0x1d: {  	[tilespmem:s21+$0x1B008] =	vst v0  }
0x1e: {  	[tilespmem:s21+$0x1B018] =	vst v0  }
0x1f: {  	[tilespmem:s21+$0x1B028] =	vst v0  }
0x20: {  	[tilespmem:s21+$0x1B038] =	vst v0  }
0x21: {  	[tilespmem:s21+$0x1B048] =	vst v0  }
0x22: {  	[tilespmem:s21+$0x1B058] =	vst v0  }
0x23: {  	[tilespmem:s21+$0x1B068] =	vst v0  }
0x24: {  	[spmem:s5] =	stream.linear.scatter [tilespmem:s15], [sflag:$0x2], $0x3E80, $0x38;
	[tilespmem:$0x1EE88] =	vst v63  }
0x25: {  	_ = 	snop  }
0x26: {  	[spmem:s7] =	stream.linear.scatter [tilespmem:s15], [sflag:$0x2], $0x3E80, $0x38;
	[tilespmem:$0x1EE88] =	vst v63  }
0x27: {  	_ = 	snop  }
0x28: {  	[spmem:s8] =	stream.linear.scatter [tilespmem:s15], [sflag:$0x2], $0x3E80, $0x38;
	[tilespmem:$0x1EE88] =	vst v63  }
0x29: {  	_ = 	snop  }
0x2a: {  	[spmem:s9] =	stream.linear.scatter [tilespmem:s15], [sflag:$0x2], $0x3E80, $0x38;
	[tilespmem:$0x1EE88] =	vst v63  }
0x2b: {  	_ = 	snop  }
0x2c: {  	[spmem:s10] =	stream.linear.scatter [tilespmem:s15], [sflag:$0x2], $0x3E80, $0x38;
	[tilespmem:$0x1EE88] =	vst v63  }
0x2d: {  	[tilespmem:$0x1AF88] =	vst v1  }
0x2e: {  	[tilespmem:$0x1AF98] =	vst v1  }
0x2f: {  	[tilespmem:$0x1AFA8] =	vst v1  }
0x30: {  	[tilespmem:$0x1AFB8] =	vst v1  }
0x31: {  	[tilespmem:$0x1AFC8] =	vst v1  }
0x32: {  	[tilespmem:$0x1AFD8] =	vst v1  }
0x33: {  	[tilespmem:$0x1AFE8] =	vst v1  }
0x34: {  	[tilespmem:$0x1AFF8] =	vst v1  }
0x35: {  	_ =	swait.ge [sflag:s16], $0x2710  }
0x36: {  	[sflag:s16] =	ssyncset.done $0x0  }
0x37: {  	[sflag:s16] =	ssyncadd.s32 $0xFFFFD8F0  }
0x38: {  	_ =	swait.ge [sflag:s16], $0x2710  }
0x39: {  	[sflag:s16] =	ssyncset.done $0x0  }
0x3a: {  	s21 =	simm.s32 $0x0;
	[sflag:s16] =	ssyncadd.s32 $0xFFFFD8F0  }
0x3b: {  	v3 =	vld [tilespmem:s21+$0x16078]  }
0x3c: {  	v4 =	vld [tilespmem:s21+$0x138F8]  }
0x3d: {  	v5 =	vld [tilespmem:s21+$0x16008]  }
0x3e: {  	v6 =	vld [tilespmem:s21+$0x16018]  }
0x3f: {  	v7 =	vld [tilespmem:s21+$0x16028]  }
0x40: {  	v9 =	vld [tilespmem:s21+$0x16038]  }
0x41: {  	v12 =	vld [tilespmem:s21+$0x16048]  }
0x42: {  	v11 =	vld [tilespmem:s21+$0x13888]  }
0x43: {  	v13 =	vld [tilespmem:s21+$0x13898];
	v3 =	vshll.u32 v3, $0x7  }
0x44: {  	v3 =	vadd.s32 v4, v3;
	v4 =	vld [tilespmem:s21+$0x16058]  }
0x45: {  	[tilespmem:s21+$0x187F8] =	vst v3;
	v3 =	vld [tilespmem:s21+$0x16068]  }
0x46: {  	v10 =	vld [tilespmem:s21+$0x138A8]  }
0x47: {  	v8 =	vld [tilespmem:s21+$0x138B8]  }
0x48: {  	v14 =	vshll.u32 v5, $0x7;
	v5 =	vld [tilespmem:s21+$0x138C8];
	v15 =	vshll.u32 v6, $0x7;
	v9 =	vshll.u32 v9, $0x7  }
0x49: {  	v6 =	vld [tilespmem:s21+$0x138D8];
	v14 =	vadd.s32 v11, v14;
	v11 =	vshll.u32 v7, $0x7;
	v7 =	vshll.u32 v12, $0x7  }
0x4a: {  	s22 =	simm.s32 $0x80;
	s23 =	simm.s32 $0x400;
	v13 =	vadd.s32 v13, v15;
	v12 =	vld [tilespmem:s21+$0x138E8];
	[tilespmem:s21+$0x18788] =	vst v14;
	v4 =	vshll.u32 v4, $0x7;
	v3 =	vshll.u32 v3, $0x7  }
.LBB2_4:
0x4b: {  	p0 =	sne.s32 s23, $0x9A00;
	v14 =	vld [tilespmem:s22+$0x16078];
	[tilespmem:s21+$0x18798] =	vst v13;
	v10 =	vadd.s32 v10, v11  }
0x4c: {  	v11 =	vld [tilespmem:s22+$0x138F8];
	[tilespmem:s21+$0x187A8] =	vst v10;
	v8 =	vadd.s32 v8, v9  }
0x4d: {  	v9 =	vld [tilespmem:s22+$0x16008];
	[tilespmem:s21+$0x187B8] =	vst v8;
	v5 =	vadd.s32 v5, v7  }
0x4e: {  	v7 =	vld [tilespmem:s22+$0x16018];
	[tilespmem:s21+$0x187C8] =	vst v5;
	v4 =	vadd.s32 v6, v4  }
0x4f: {  	v5 =	vld [tilespmem:s22+$0x16028];
	[tilespmem:s21+$0x187D8] =	vst v4;
	v3 =	vadd.s32 v12, v3  }
0x50: {  	v4 =	vld [tilespmem:s22+$0x16038];
	v6 =	vshll.u32 v14, $0x7;
	[tilespmem:s21+$0x187E8] =	vst v3;
	s21 =	smov.u32 s22  }
0x51: {  	v3 =	vld [tilespmem:s21+$0x16048];
	v6 =	vadd.s32 v11, v6  }
0x52: {  	v12 =	vshll.u32 v9, $0x7;
	v13 =	vld [tilespmem:s21+$0x16058];
	[tilespmem:s21+$0x187F8] =	vst v6  }
0x53: {  	v14 =	vshll.u32 v7, $0x7;
	v6 =	vld [tilespmem:s21+$0x16068]  }
0x54: {  	v15 =	vld [tilespmem:s21+$0x13888];
	v11 =	vshll.u32 v5, $0x7  }
0x55: {  	v16 =	vld [tilespmem:s21+$0x13898];
	v9 =	vshll.u32 v4, $0x7  }
.Ltmp1:
0x56: {  	v10 =	vld [tilespmem:s21+$0x138A8];
	v7 =	vshll.u32 v3, $0x7;
	(pc) =	sbr.rel @p0 .LBB2_4-.Ltmp1, $4  }
0x57: {  	v8 =	vld [tilespmem:s21+$0x138B8];
	v4 =	vshll.u32 v13, $0x7  }
0x58: {  	v5 =	vld [tilespmem:s21+$0x138C8];
	v3 =	vshll.u32 v6, $0x7  }
0x59: {  	v12 =	vadd.s32 v15, v12;
	v6 =	vld [tilespmem:s21+$0x138D8]  }
0x5a: {  	s22 =	sshra.s32 s23, $0x2;
	s23 =	sadd.s32 $0x200, s23;
	[tilespmem:s21+$0x18788] =	vst v12;
	v13 =	vadd.s32 v16, v14;
	v12 =	vld [tilespmem:s21+$0x138E8]  }
0x5b: {  	v14 =	vld [tilespmem:s22+$0x16078];
	[tilespmem:s21+$0x18798] =	vst v13;
	v10 =	vadd.s32 v10, v11  }
0x5c: {  	v52 =	vld [tilespmem:s22+$0x138F8];
	[tilespmem:s21+$0x187A8] =	vst v10;
	v8 =	vadd.s32 v8, v9  }
0x5d: {  	v53 =	vld [tilespmem:s22+$0x16008];
	[tilespmem:s21+$0x187B8] =	vst v8;
	v5 =	vadd.s32 v5, v7  }
0x5e: {  	v54 =	vld [tilespmem:s22+$0x16018];
	[tilespmem:s21+$0x187C8] =	vst v5;
	v4 =	vadd.s32 v6, v4  }
0x5f: {  	v5 =	vld [tilespmem:s22+$0x16028];
	[tilespmem:s21+$0x187D8] =	vst v4;
	v3 =	vadd.s32 v12, v3  }
0x60: {  	v4 =	vld [tilespmem:s22+$0x16038];
	[tilespmem:s21+$0x187E8] =	vst v3  }
0x61: {  	v55 =	vld [tilespmem:s22+$0x16048]  }
0x62: {  	v8 =	vld [tilespmem:s22+$0x16058]  }
0x63: {  	v10 =	vld [tilespmem:s22+$0x13888]  }
0x64: {  	v56 =	vld [tilespmem:s22+$0x13898]  }
0x65: {  	v57 =	vld [tilespmem:s22+$0x138A8]  }
0x66: {  	v13 =	vld [tilespmem:s22+$0x138B8]  }
0x67: {  	v3 =	vshll.u32 v14, $0x7;
	v58 =	vld [tilespmem:s22+$0x138C8]  }
0x68: {  	v3 =	vadd.s32 v52, v3;
	v59 =	vld [tilespmem:s22+$0x138D8];
	v9 =	vshll.u32 v53, $0x7  }
0x69: {  	[tilespmem:s22+$0x187F8] =	vst v3;
	v3 =	vld [tilespmem:s22+$0x16068];
	v7 =	vshll.u32 v54, $0x7;
	v9 =	vadd.s32 v10, v9  }
0x6a: {  	v60 =	vld [tilespmem:s22+$0x138E8];
	v5 =	vshll.u32 v5, $0x7;
	v7 =	vadd.s32 v56, v7;
	[tilespmem:s22+$0x18788] =	vst v9  }
0x6b: {  	v4 =	vshll.u32 v4, $0x7;
	v5 =	vadd.s32 v57, v5;
	[tilespmem:s22+$0x18798] =	vst v7  }
0x6c: {  	v6 =	vshll.u32 v55, $0x7;
	v4 =	vadd.s32 v13, v4;
	[tilespmem:s22+$0x187A8] =	vst v5  }
0x6d: {  	v61 =	vshll.u32 v8, $0x7;
	[tilespmem:s22+$0x187B8] =	vst v4;
	v62 =	vadd.s32 v58, v6  }
0x6e: {  	v3 =	vshll.u32 v3, $0x7;
	v63 =	vadd.s32 v59, v61;
	[tilespmem:s22+$0x187C8] =	vst v62  }
0x6f: {  	[tilespmem:s22+$0x187D8] =	vst v63;
	v3 =	vadd.s32 v60, v3  }
0x70: {  	[tilespmem:s22+$0x187E8] =	vst v3  }
0x71: {  	v3 =	vld [tilespmem:$0x18708];
	[tilespmem:$0x1AE98] =	vst v2  }
0x72: {  	v4 =	vld [tilespmem:$0x15F88];
	[tilespmem:$0x1AEA8] =	vst v2  }
0x73: {  	[tilespmem:$0x1AEB8] =	vst v2  }
0x74: {  	[tilespmem:$0x1AEC8] =	vst v2  }
0x75: {  	[tilespmem:$0x1AED8] =	vst v2  }
0x76: {  	[tilespmem:$0x1AEE8] =	vst v2;
	v3 =	vshll.u32 v3, $0x7  }
0x77: {  	[tilespmem:$0x1AEF8] =	vst v2;
	v3 =	vadd.s32 v4, v3  }
0x78: {  	[tilespmem:$0x1AE88] =	vst v3  }
0x79: {  	_ =	swait.ge [sflag:s17], $0x3E80  }
0x7a: {  	[sflag:s17] =	ssyncset.done $0x0  }
0x7b: {  	[sflag:s17] =	ssyncadd.s32 $0xFFFFC180  }
0x7c: {  	_ =	swait.ge [sflag:s17], $0x3E80  }
0x7d: {  	[sflag:s17] =	ssyncset.done $0x0  }
0x7e: {  	[sflag:s17] =	ssyncadd.s32 $0xFFFFC180  }
0x7f: {  	_ =	swait.ge [sflag:s17], $0x3E80  }
0x80: {  	[sflag:s17] =	ssyncset.done $0x0  }
0x81: {  	[sflag:s17] =	ssyncadd.s32 $0xFFFFC180  }
0x82: {  	_ =	swait.ge [sflag:s17], $0x3E80  }
0x83: {  	[sflag:s17] =	ssyncset.done $0x0  }
0x84: {  	[sflag:s17] =	ssyncadd.s32 $0xFFFFC180  }
0x85: {  	_ =	swait.ge [sflag:s17], $0x3E80  }
0x86: {  	[sflag:s17] =	ssyncset.done $0x0  }
0x87: {  	[sflag:s17] =	ssyncadd.s32 $0xFFFFC180  }
0x88: {  	s21 =	simm.s32 $0x0;
	s22 =	simm.s32 $0x18788;
	[bflag:$0x0] =	sbarrier.arrive $0xFFFF  }
.LBB2_6:
0x89: {  	p0 =	sgt.u32 s21, $0x4E  }
0x8a: {  	s23 =	simm.s32 @!p0 $0x80;
	s24 =	simm.s32 @!p0 $0x1AF88;
	p1 =	slt.u32 @!p0 s21, $0x18  }
0x8b: {  	[spmem:s2] =	stream.indirect.scatter.add.f32 @!p0 [tilespmem:s24], [sflag:$0x3], $0x1, s22, s23, $0xb8;
	[tilespmem:$0x1EE88] =	vst v63  }
0x8c: {  	p0 =	por p0, !p1  }
0x8d: {  	_ =	swait.ge @p0 [sflag:s18], $0x80  }
0x8e: {  	s21 =	sadd.s32 $0x1, s21;
	[sflag:s18] =	ssyncset.done @p0 $0x0  }
0x8f: {  	[sflag:s18] =	ssyncadd.s32 @p0 $0xFFFFFF80;
	p0 =	sne.s32 s21, $0x67  }
.Ltmp2:
0x90: {  	_ = 	snop;
	(pc) =	sbr.rel @p0 .LBB2_6-.Ltmp2, $2  }
0x91: {  	_ =	sdelay $0x2  }
0x92: {  	s22 =	sadd.s32 $0x80, s22  }
0x93: {  	s20 =	sadd.s32 $0x1, s20  }
0x94: {  	s21 =	sshll.u32 s0, $0x6;
	[bflag:$0x0] =	sbarrier.arrive $0xFFFF;
	p0 =	sne.s32 s20, s11  }
.Ltmp3:
0x95: {  	s22 =	sshrl.u32 s5, $0x3;
	s21 =	sor.u32 $0x1C04, s21;
	(pc) =	sbr.rel @p0 .LBB2_1-.Ltmp3, $4  }
0x96: {  	[hbm:s12], [sflag:s21] =	dma.local [spmem:s22], $0x2710  }
0x97: {  	_ =	swait.ge [sflag:s19], $0x2710  }
0x98: {  	[sflag:s19] =	ssyncset.done $0x0  }
0x99: {  	[sflag:s19] =	ssyncadd.s32 $0xFFFFD8F0  }
0x9a: {  	_ =	sfence.sel $0x180000  }
0x9b: {  	[bflag:$0x0] =	sbarrier.arrive $0xFFFF  }
0x9c: {  	p0 =	sne.s32 s0, $0x0;
	_ =	strace $0x90000047  }
0x9d: {  	s0 =	sadd.s32 @!p0 $0x100000, s1;
	[bflag:$0x2] =	sbarrier.arrive $0xFFFF  }
0x9e: {  	[sflag:s0] =	ssyncadd.tile.s32 @!p0 $0x1;
	_ =	shalt  }
.Lfunc_end2:
_tile_overlayer_lowered:
.L_overlay_start_2:
0x9f: {  	(tag) =	ssettag $0x2  }
0xa0: {  	s0 =	rddreg [dreg:$0x0];
	s2 =	stileid.u32  }
0xa1: {  	s1 =	rddreg [dreg:$0x1];
	p0 =	sne.s32 s2, $0x0  }
0xa2: {  	s3 =	rddreg [dreg:$0x2];
	[bflag:$0x3] =	sbarrier.arrive $0xFFFF;
	s2 =	simm.s32 @!p0 $0x1C04  }
0xa3: {  	[timem:s3], [sflag:s2] =	dma.local @!p0 [hbm:s0], s1  }
0xa4: {  	s0 =	simm.s32 @!p0 $0x4  }
0xa5: {  	_ =	swait.ge @!p0 [sflag:s0], s1  }
0xa6: {  	s1 =	ssub.s32 @!p0 $0x0, s1;
	[sflag:s0] =	ssyncset.done @!p0 $0x0  }
0xa7: {  	[sflag:s0] =	ssyncadd.s32 @!p0 s1  }
0xa8: {  	[bflag:$0x3] =	sbarrier.arrive $0xFFFF  }
0xa9: {  	_ =	shalt  }

</sc_bundles>
